<compile_context>
chip_gen: v7x
topology: tpu7x:2x2x1
jax: 0.10.2.dev20260603
libtpu: 0.0.44.dev20260713+nightly
codegen_flags: <defaults>
</compile_context>

<pallas_src>
import functools

import jax
import jax.numpy as jnp
from jax import lax
from jax.experimental import pallas as pl
from jax.experimental.pallas import tpu as pltpu
from jax.experimental.pallas import tpu_sc as plsc

NC = 2
NS = 16
L = 16
NW = NC * NS

D = 128
CHUNK = 128
MB = 1280
N_PAD = 10240
RPS = N_PAD // NS


def _mesh():
    return plsc.VectorSubcoreMesh(
        core_axis_name="c", subcore_axis_name="s", num_cores=NC, num_subcores=NS
    )


@functools.lru_cache(maxsize=None)
def _sc_degree(e_pad):
    ept = e_pad // NW
    nch = ept // CHUNK

    @functools.partial(
        pl.kernel,
        out_type=jax.ShapeDtypeStruct((NC * N_PAD,), jnp.float32),
        mesh=_mesh(),
        scratch_types=[
            pltpu.VMEM((2, CHUNK), jnp.int32),
            pltpu.VMEM((CHUNK,), jnp.float32),
            pltpu.VMEM((RPS,), jnp.float32),
            pltpu.VMEM_SHARED((N_PAD,), jnp.float32),
            pltpu.SemaphoreType.DMA,
            pltpu.SemaphoreType.DMA,
        ],
    )
    def deg_kernel(row_hbm, out_hbm, idx2, ones_v, zero_v, s1, a0, a1):
        c = lax.axis_index("c")
        s = lax.axis_index("s")
        wid = s * NC + c
        ones = jnp.ones((L,), jnp.float32)
        zeros = jnp.zeros((L,), jnp.float32)
        for j in range(CHUNK // L):
            ones_v[pl.ds(j * L, L)] = ones

        def zfill(i, _):
            zero_v[pl.ds(i * L, L)] = zeros
            return 0

        lax.fori_loop(0, RPS // L, zfill, 0)
        pltpu.sync_copy(zero_v, s1.at[pl.ds(s * RPS, RPS)])
        plsc.subcore_barrier()

        def off(j):
            return pl.multiple_of(wid * ept + j * CHUNK, CHUNK)

        pltpu.async_copy(row_hbm.at[pl.ds(off(0), CHUNK)], idx2.at[0], a0)

        def pair(i, _):
            j = 2 * i
            pltpu.make_async_copy(
                row_hbm.at[pl.ds(off(j), CHUNK)], idx2.at[0], a0
            ).wait()
            pltpu.async_copy(row_hbm.at[pl.ds(off(j + 1), CHUNK)], idx2.at[1], a1)
            pltpu.sync_copy(ones_v, s1.at[idx2.at[0]], add=True)
            pltpu.make_async_copy(
                row_hbm.at[pl.ds(off(j + 1), CHUNK)], idx2.at[1], a1
            ).wait()
            pltpu.async_copy(row_hbm.at[pl.ds(off(j + 2), CHUNK)], idx2.at[0], a0)
            pltpu.sync_copy(ones_v, s1.at[idx2.at[1]], add=True)
            return 0

        lax.fori_loop(0, (nch - 1) // 2, pair, 0)
        pltpu.make_async_copy(
            row_hbm.at[pl.ds(off(nch - 1), CHUNK)], idx2.at[0], a0
        ).wait()
        pltpu.sync_copy(ones_v, s1.at[idx2.at[0]], add=True)
        plsc.subcore_barrier()
        pltpu.sync_copy(
            s1.at[pl.ds(s * RPS, RPS)],
            out_hbm.at[pl.ds(c * N_PAD + s * RPS, RPS)],
        )

    return deg_kernel


@functools.lru_cache(maxsize=None)
def _sc_segsum(e_pad):
    ept = e_pad // NW
    nch = ept // CHUNK

    @functools.partial(
        pl.kernel,
        out_type=jax.ShapeDtypeStruct((NC, N_PAD, D), jnp.float32),
        mesh=_mesh(),
        scratch_types=[
            pltpu.VMEM((CHUNK,), jnp.int32),
            pltpu.VMEM((CHUNK,), jnp.int32),
            pltpu.VMEM((CHUNK, D), jnp.float32),
            pltpu.VMEM_SHARED((N_PAD, D), jnp.float32),
            pltpu.SemaphoreType.DMA,
            pltpu.SemaphoreType.DMA,
            pltpu.SemaphoreType.DMA,
        ],
    )
    def seg_kernel(
        g_hbm, row_hbm, col_hbm, zeros_hbm, out_hbm,
        ridx_v, cidx_v, rows_v, sacc, sem, si0, si1,
    ):
        c = lax.axis_index("c")
        s = lax.axis_index("s")
        wid = s * NC + c
        for j in range(RPS // CHUNK):
            pltpu.sync_copy(
                zeros_hbm, sacc.at[pl.ds(s * RPS + j * CHUNK, CHUNK)]
            )
        plsc.subcore_barrier()

        def chunk(j, _):
            off = pl.multiple_of(wid * ept + j * CHUNK, CHUNK)
            pltpu.async_copy(row_hbm.at[pl.ds(off, CHUNK)], ridx_v, si0)
            pltpu.async_copy(col_hbm.at[pl.ds(off, CHUNK)], cidx_v, si1)
            pltpu.make_async_copy(col_hbm.at[pl.ds(off, CHUNK)], cidx_v, si1).wait()
            pltpu.async_copy(g_hbm.at[cidx_v], rows_v, sem).wait()
            pltpu.make_async_copy(row_hbm.at[pl.ds(off, CHUNK)], ridx_v, si0).wait()
            pltpu.sync_copy(rows_v, sacc.at[ridx_v], add=True)
            return 0

        lax.fori_loop(0, nch, chunk, 0)
        plsc.subcore_barrier()
        pltpu.sync_copy(
            sacc.at[pl.ds(s * RPS, RPS)], out_hbm.at[c, pl.ds(s * RPS, RPS)]
        )

    return seg_kernel


def _tc_g_body(x_ref, w_ref, db_ref, g_ref):
    db = db_ref[...]
    deg = 1.0 + db[:, 0] + db[:, 1]
    d = lax.rsqrt(deg)
    h = jnp.dot(x_ref[...], w_ref[...], preferred_element_type=jnp.float32)
    g_ref[...] = h * d[:, None]


_tc_g = pl.pallas_call(
    _tc_g_body,
    grid=(N_PAD // MB,),
    in_specs=[
        pl.BlockSpec((MB, D), lambda i: (i, 0)),
        pl.BlockSpec((D, D), lambda i: (0, 0)),
        pl.BlockSpec((MB, NC), lambda i: (i, 0)),
    ],
    out_specs=pl.BlockSpec((MB, D), lambda i: (i, 0)),
    out_shape=jax.ShapeDtypeStruct((N_PAD, D), jnp.float32),
)


def _tc_out_body(s_ref, g_ref, db_ref, b_ref, o_ref):
    db = db_ref[...]
    deg = 1.0 + db[:, 0] + db[:, 1]
    d = lax.rsqrt(deg)
    sv = s_ref[...]
    tot = sv[0] + sv[1] + g_ref[...]
    o_ref[...] = tot * d[:, None] + b_ref[...]


def _tc_out(n_nodes, ob):
    return pl.pallas_call(
        _tc_out_body,
        grid=(n_nodes // ob,),
        in_specs=[
            pl.BlockSpec((NC, ob, D), lambda i: (0, i, 0)),
            pl.BlockSpec((ob, D), lambda i: (i, 0)),
            pl.BlockSpec((ob, NC), lambda i: (i, 0)),
            pl.BlockSpec((1, D), lambda i: (0, 0)),
        ],
        out_specs=pl.BlockSpec((ob, D), lambda i: (i, 0)),
        out_shape=jax.ShapeDtypeStruct((n_nodes, D), jnp.float32),
    )


@jax.jit
def kernel(x, edge_index, weight, bias):
    n = x.shape[0]
    e = edge_index.shape[1]
    row = edge_index[0].astype(jnp.int32)
    col = edge_index[1].astype(jnp.int32)
    epb = NW * CHUNK
    e_pad = ((e + epb - 1) // epb) * epb
    padv = jnp.full((e_pad - e,), n, jnp.int32)
    row_p = jnp.concatenate([row, padv])
    col_p = jnp.concatenate([col, padv])
    x_p = jnp.zeros((N_PAD, x.shape[1]), jnp.float32).at[:n, :].set(x)

    zerosd = jnp.zeros((CHUNK, D), jnp.float32)

    degbuf = _sc_degree(e_pad)(row_p)
    db = jnp.transpose(degbuf.reshape(NC, N_PAD))
    g = _tc_g(x_p, weight, db)
    s = _sc_segsum(e_pad)(g, row_p, col_p, zerosd)
    out = _tc_out(n, 2000)(s, g, db, bias.reshape(1, D))
    return out

# --- scband reference (transcript-rebuilt; emitter-appended) ---
"""Pipeline reference for scband-graph-conv-58746562675013 (READ-ONLY COPY).

The authoritative reference and input builder live on the scoring server;
editing this copy changes nothing except your own understanding.
"""

import jax, jax.numpy as jnp
import numpy as np

N_NODES = 10000
N_EDGES = 320000
D_IN = 128
D_OUT = 128


def setup_inputs(seed: int = 0) -> dict:
    key = jax.random.key(seed)
    k1, k2, k3, k4 = jax.random.split(key, 4)
    x = jax.random.normal(k1, (N_NODES, D_IN), dtype=jnp.float32)
    edge_index = jax.random.randint(k2, (2, N_EDGES), 0, N_NODES)
    # reset_parameters: uniform(size=in_channels, tensor) -> U(-1/sqrt(size), 1/sqrt(size))
    bound = 1.0 / np.sqrt(D_IN)
    weight = jax.random.uniform(k3, (D_IN, D_OUT), dtype=jnp.float32, minval=-bound, maxval=bound)
    bias = jax.random.uniform(k4, (D_OUT,), dtype=jnp.float32, minval=-bound, maxval=bound)
    return {"x": x, "edge_index": edge_index, "weight": weight, "bias": bias}


def reference(x, edge_index, weight, bias):
    num_nodes = x.shape[0]
    row = edge_index[0]
    col = edge_index[1]
    # Add self-loops: A_hat = A + I
    loop = jnp.arange(num_nodes, dtype=row.dtype)
    row = jnp.concatenate([row, loop])
    col = jnp.concatenate([col, loop])
    # edge_attr is None -> all ones (including self-loop weights)
    edge_attr = jnp.ones((row.shape[0],), dtype=x.dtype)
    # D_hat_ii = sum_j A_hat_ij
    deg = jax.ops.segment_sum(edge_attr, row, num_segments=num_nodes)
    deg_inv_sqrt = jnp.power(deg, -0.5)
    # Normalize: D^{-1/2} A_hat D^{-1/2}
    norm = deg_inv_sqrt[row] * edge_attr * deg_inv_sqrt[col]
    # Convolution: gather transformed features along col, scatter-add to row
    out = x @ weight
    msgs = jnp.take(out, col, axis=0) * norm[:, None]
    out = jax.ops.segment_sum(msgs, row, num_segments=num_nodes)
    out = out + bias
    return out

if __name__ == "__main__":
    import jax
    _d = setup_inputs()
    print(jax.jit(kernel)(*tuple(_d.values())))

</pallas_src>

<mosaic_0001>
#map = affine_map<(d0, d1) -> (0)>
module attributes {stable_mosaic.version = 14 : i64} {
  func.func @deg_kernel(%arg0: i32, %arg1: i32, %arg2: memref<323584xi32, #tpu.memory_space<hbm>>, %arg3: memref<20480xf32, #tpu.memory_space<hbm>>, %arg4: memref<2x128xi32, #tpu.memory_space<vmem>>, %arg5: memref<128xf32, #tpu.memory_space<vmem>>, %arg6: memref<640xf32, #tpu.memory_space<vmem>>, %arg7: memref<10240xf32, #tpu.memory_space<vmem_shared>>, %arg8: memref<!tpu.dma_semaphore, #tpu.memory_space<semaphore_mem>>, %arg9: memref<!tpu.dma_semaphore, #tpu.memory_space<semaphore_mem>>) attributes {dimension_semantics = [#tpu.dimension_semantics<core_parallel>, #tpu.dimension_semantics<subcore_parallel>], iteration_bounds = array<i64: 2, 16>, scalar_prefetch = 0 : i64, scratch_operands = 6 : i64, tpu.core_type = #tpu.core_type<sc_vector_subcore>, window_params = [{transform_indices = #map}, {transform_indices = #map}]} {
    %mul3A = arith.constant 2 : i32
    %mul3A_0 = arith.muli %arg1, %mul3A : i32
    %add3A = arith.addi %mul3A_0, %arg0 : i32
    %broadcast_in_dim3A = arith.constant 1.000000e+00 : f32
    %broadcast_in_dim3A_1 = vector.broadcast %broadcast_in_dim3A : f32 to vector<16xf32>
    %broadcast_in_dim3A_2 = arith.constant 0.000000e+00 : f32
    %broadcast_in_dim3A_3 = vector.broadcast %broadcast_in_dim3A_2 : f32 to vector<16xf32>
    %swap3A = arith.constant 0 : index
    %swap3A_4 = tpu.vector_load %arg5[%swap3A] {strides = array<i32>} : memref<128xf32, #tpu.memory_space<vmem>>, vector<16xf32>,
    %swap3A_5 = vector.shape_cast %swap3A_4 : vector<16xf32> to vector<16xf32>
    %swap3A_6 = vector.shape_cast %broadcast_in_dim3A_1 : vector<16xf32> to vector<16xf32>
    tpu.vector_store %arg5[%swap3A], %swap3A_6 {strides = array<i32>} : memref<128xf32, #tpu.memory_space<vmem>>, vector<16xf32>,
    %swap3A_7 = arith.constant 16 : index
    %swap3A_8 = tpu.vector_load %arg5[%swap3A_7] {strides = array<i32>} : memref<128xf32, #tpu.memory_space<vmem>>, vector<16xf32>,
    %swap3A_9 = vector.shape_cast %swap3A_8 : vector<16xf32> to vector<16xf32>
    %swap3A_10 = vector.shape_cast %broadcast_in_dim3A_1 : vector<16xf32> to vector<16xf32>
    tpu.vector_store %arg5[%swap3A_7], %swap3A_10 {strides = array<i32>} : memref<128xf32, #tpu.memory_space<vmem>>, vector<16xf32>,
    %swap3A_11 = arith.constant 32 : index
    %swap3A_12 = tpu.vector_load %arg5[%swap3A_11] {strides = array<i32>} : memref<128xf32, #tpu.memory_space<vmem>>, vector<16xf32>,
    %swap3A_13 = vector.shape_cast %swap3A_12 : vector<16xf32> to vector<16xf32>
    %swap3A_14 = vector.shape_cast %broadcast_in_dim3A_1 : vector<16xf32> to vector<16xf32>
    tpu.vector_store %arg5[%swap3A_11], %swap3A_14 {strides = array<i32>} : memref<128xf32, #tpu.memory_space<vmem>>, vector<16xf32>,
    %swap3A_15 = arith.constant 48 : index
    %swap3A_16 = tpu.vector_load %arg5[%swap3A_15] {strides = array<i32>} : memref<128xf32, #tpu.memory_space<vmem>>, vector<16xf32>,
    %swap3A_17 = vector.shape_cast %swap3A_16 : vector<16xf32> to vector<16xf32>
    %swap3A_18 = vector.shape_cast %broadcast_in_dim3A_1 : vector<16xf32> to vector<16xf32>
    tpu.vector_store %arg5[%swap3A_15], %swap3A_18 {strides = array<i32>} : memref<128xf32, #tpu.memory_space<vmem>>, vector<16xf32>,
    %swap3A_19 = arith.constant 64 : index
    %swap3A_20 = tpu.vector_load %arg5[%swap3A_19] {strides = array<i32>} : memref<128xf32, #tpu.memory_space<vmem>>, vector<16xf32>,
    %swap3A_21 = vector.shape_cast %swap3A_20 : vector<16xf32> to vector<16xf32>
    %swap3A_22 = vector.shape_cast %broadcast_in_dim3A_1 : vector<16xf32> to vector<16xf32>
    tpu.vector_store %arg5[%swap3A_19], %swap3A_22 {strides = array<i32>} : memref<128xf32, #tpu.memory_space<vmem>>, vector<16xf32>,
    %swap3A_23 = arith.constant 80 : index
    %swap3A_24 = tpu.vector_load %arg5[%swap3A_23] {strides = array<i32>} : memref<128xf32, #tpu.memory_space<vmem>>, vector<16xf32>,
    %swap3A_25 = vector.shape_cast %swap3A_24 : vector<16xf32> to vector<16xf32>
    %swap3A_26 = vector.shape_cast %broadcast_in_dim3A_1 : vector<16xf32> to vector<16xf32>
    tpu.vector_store %arg5[%swap3A_23], %swap3A_26 {strides = array<i32>} : memref<128xf32, #tpu.memory_space<vmem>>, vector<16xf32>,
    %swap3A_27 = arith.constant 96 : index
    %swap3A_28 = tpu.vector_load %arg5[%swap3A_27] {strides = array<i32>} : memref<128xf32, #tpu.memory_space<vmem>>, vector<16xf32>,
    %swap3A_29 = vector.shape_cast %swap3A_28 : vector<16xf32> to vector<16xf32>
    %swap3A_30 = vector.shape_cast %broadcast_in_dim3A_1 : vector<16xf32> to vector<16xf32>
    tpu.vector_store %arg5[%swap3A_27], %swap3A_30 {strides = array<i32>} : memref<128xf32, #tpu.memory_space<vmem>>, vector<16xf32>,
    %swap3A_31 = arith.constant 112 : index
    %swap3A_32 = tpu.vector_load %arg5[%swap3A_31] {strides = array<i32>} : memref<128xf32, #tpu.memory_space<vmem>>, vector<16xf32>,
    %swap3A_33 = vector.shape_cast %swap3A_32 : vector<16xf32> to vector<16xf32>
    %swap3A_34 = vector.shape_cast %broadcast_in_dim3A_1 : vector<16xf32> to vector<16xf32>
    tpu.vector_store %arg5[%swap3A_31], %swap3A_34 {strides = array<i32>} : memref<128xf32, #tpu.memory_space<vmem>>, vector<16xf32>,
    %scan3A = arith.constant 0 : i32
    %scan3A_35 = arith.constant 0 : i32
    %scan3A_36 = arith.constant 40 : i32
    %scan3A_37 = arith.addi %scan3A_35, %scan3A_36 : i32
    %scan3A_38 = arith.constant 1 : i32
    %scan3A_39 = scf.for %scan3A_83 = %scan3A_35 to %scan3A_37 step %scan3A_38 iter_args(%scan3A_84 = %scan3A) -> (i32)  : i32 {
      %mul3A_85 = arith.constant 16 : i32
      %mul3A_86 = arith.muli %scan3A_83, %mul3A_85 : i32
      %swap3A_87 = arith.index_cast %mul3A_86 : i32 to index
      %swap3A_88 = tpu.vector_load %arg6[%swap3A_87] {strides = array<i32>} : memref<640xf32, #tpu.memory_space<vmem>>, vector<16xf32>,
      %swap3A_89 = vector.shape_cast %swap3A_88 : vector<16xf32> to vector<16xf32>
      %swap3A_90 = vector.shape_cast %broadcast_in_dim3A_3 : vector<16xf32> to vector<16xf32>
      tpu.vector_store %arg6[%swap3A_87], %swap3A_90 {strides = array<i32>} : memref<640xf32, #tpu.memory_space<vmem>>, vector<16xf32>,
      %scan3A_91 = arith.constant 0 : i32
      scf.yield %scan3A_91 : i32
    }
    %scan3A_40 = arith.constant 40 : i32
    %mul3A_41 = arith.constant 640 : i32
    %mul3A_42 = arith.muli %arg1, %mul3A_41 : i32
    "tpu.region"() ({
      %run_scoped3A_83 = tpu.sem_alloc : memref<!tpu.dma_semaphore, #tpu.memory_space<semaphore_mem>>
      %dma_start3A_84 = tpu.memref_slice %arg7[%mul3A_42] : memref<10240xf32, #tpu.memory_space<vmem_shared>> -> memref<640xf32, #tpu.memory_space<vmem_shared>>
      %dma_start3A_85 = tpu.memref_slice %arg7[%mul3A_42] : memref<10240xf32, #tpu.memory_space<vmem_shared>> -> memref<640xf32, #tpu.memory_space<vmem_shared>>
      tpu.enqueue_dma source(%arg6 : memref<640xf32, #tpu.memory_space<vmem>>) target(%dma_start3A_85 : memref<640xf32, #tpu.memory_space<vmem_shared>>) target_semaphore(%run_scoped3A_83 : memref<!tpu.dma_semaphore, #tpu.memory_space<semaphore_mem>>)
      %dma_wait3A_86 = tpu.memref_slice %arg7[%mul3A_42] : memref<10240xf32, #tpu.memory_space<vmem_shared>> -> memref<640xf32, #tpu.memory_space<vmem_shared>>
      %dma_wait3A_87 = tpu.memref_slice %arg7[%mul3A_42] : memref<10240xf32, #tpu.memory_space<vmem_shared>> -> memref<640xf32, #tpu.memory_space<vmem_shared>>
      tpu.wait_dma2 semaphore(%run_scoped3A_83 : memref<!tpu.dma_semaphore, #tpu.memory_space<semaphore_mem>>) src(%arg6 : memref<640xf32, #tpu.memory_space<vmem>>) dst(%dma_wait3A_87 : memref<640xf32, #tpu.memory_space<vmem_shared>>)
      tpu.yield
    }) : () -> ()
    %barrier3A = arith.constant 0 : index
    tpu.barrier barrier_id(%barrier3A)
    %mul3A_43 = arith.constant 10112 : i32
    %mul3A_44 = arith.muli %add3A, %mul3A_43 : i32
    %add3A_45 = arith.constant 0 : i32
    %add3A_46 = arith.addi %mul3A_44, %add3A_45 : i32
    %multiple_of3A = tpu.assume_multiple %add3A_46, 128 : i32
    %dma_start3A = arith.constant 0 : i32
    %dma_start3A_47 = arith.constant 0 : i32
    %dma_start3A_48 = tpu.memref_slice %arg4[%dma_start3A, %dma_start3A_47] : memref<2x128xi32, #tpu.memory_space<vmem>> -> memref<1x128xi32, #tpu.memory_space<vmem>>
    %dma_start3A_49 = tpu.memref_squeeze %dma_start3A_48 : memref<1x128xi32, #tpu.memory_space<vmem>> -> memref<128xi32, #tpu.memory_space<vmem>>
    %dma_start3A_50 = tpu.memref_slice %arg2[%multiple_of3A] : memref<323584xi32, #tpu.memory_space<hbm>> -> memref<128xi32, #tpu.memory_space<hbm>>
    %dma_start3A_51 = arith.constant 0 : i32
    %dma_start3A_52 = tpu.memref_slice %arg4[%dma_start3A, %dma_start3A_51] : memref<2x128xi32, #tpu.memory_space<vmem>> -> memref<1x128xi32, #tpu.memory_space<vmem>>
    %dma_start3A_53 = tpu.memref_squeeze %dma_start3A_52 : memref<1x128xi32, #tpu.memory_space<vmem>> -> memref<128xi32, #tpu.memory_space<vmem>>
    %dma_start3A_54 = tpu.memref_slice %arg2[%multiple_of3A] : memref<323584xi32, #tpu.memory_space<hbm>> -> memref<128xi32, #tpu.memory_space<hbm>>
    tpu.enqueue_dma source(%dma_start3A_54 : memref<128xi32, #tpu.memory_space<hbm>>) target(%dma_start3A_53 : memref<128xi32, #tpu.memory_space<vmem>>) target_semaphore(%arg8 : memref<!tpu.dma_semaphore, #tpu.memory_space<semaphore_mem>>)
    %scan3A_55 = arith.constant 0 : i32
    %scan3A_56 = arith.constant 0 : i32
    %scan3A_57 = arith.constant 39 : i32
    %scan3A_58 = arith.addi %scan3A_56, %scan3A_57 : i32
    %scan3A_59 = arith.constant 1 : i32
    %scan3A_60 = scf.for %scan3A_83 = %scan3A_56 to %scan3A_58 step %scan3A_59 iter_args(%scan3A_84 = %scan3A_55) -> (i32)  : i32 {
      %mul3A_85 = arith.constant 2 : i32
      %mul3A_86 = arith.muli %mul3A_85, %scan3A_83 : i32
      %mul3A_87 = arith.constant 10112 : i32
      %mul3A_88 = arith.muli %add3A, %mul3A_87 : i32
      %mul3A_89 = arith.constant 128 : i32
      %mul3A_90 = arith.muli %mul3A_86, %mul3A_89 : i32
      %add3A_91 = arith.addi %mul3A_88, %mul3A_90 : i32
      %multiple_of3A_92 = tpu.assume_multiple %add3A_91, 128 : i32
      %dma_wait3A_93 = arith.constant 0 : i32
      %dma_wait3A_94 = arith.constant 0 : i32
      %dma_wait3A_95 = tpu.memref_slice %arg4[%dma_wait3A_93, %dma_wait3A_94] : memref<2x128xi32, #tpu.memory_space<vmem>> -> memref<1x128xi32, #tpu.memory_space<vmem>>
      %dma_wait3A_96 = tpu.memref_squeeze %dma_wait3A_95 : memref<1x128xi32, #tpu.memory_space<vmem>> -> memref<128xi32, #tpu.memory_space<vmem>>
      %dma_wait3A_97 = tpu.memref_slice %arg2[%multiple_of3A_92] : memref<323584xi32, #tpu.memory_space<hbm>> -> memref<128xi32, #tpu.memory_space<hbm>>
      %dma_wait3A_98 = arith.constant 0 : i32
      %dma_wait3A_99 = tpu.memref_slice %arg4[%dma_wait3A_93, %dma_wait3A_98] : memref<2x128xi32, #tpu.memory_space<vmem>> -> memref<1x128xi32, #tpu.memory_space<vmem>>
      %dma_wait3A_100 = tpu.memref_squeeze %dma_wait3A_99 : memref<1x128xi32, #tpu.memory_space<vmem>> -> memref<128xi32, #tpu.memory_space<vmem>>
      %dma_wait3A_101 = tpu.memref_slice %arg2[%multiple_of3A_92] : memref<323584xi32, #tpu.memory_space<hbm>> -> memref<128xi32, #tpu.memory_space<hbm>>
      tpu.wait_dma2 semaphore(%arg8 : memref<!tpu.dma_semaphore, #tpu.memory_space<semaphore_mem>>) src(%dma_wait3A_101 : memref<128xi32, #tpu.memory_space<hbm>>) dst(%dma_wait3A_100 : memref<128xi32, #tpu.memory_space<vmem>>)
      %add3A_102 = arith.constant 1 : i32
      %add3A_103 = arith.addi %mul3A_86, %add3A_102 : i32
      %mul3A_104 = arith.constant 10112 : i32
      %mul3A_105 = arith.muli %add3A, %mul3A_104 : i32
      %mul3A_106 = arith.constant 128 : i32
      %mul3A_107 = arith.muli %add3A_103, %mul3A_106 : i32
      %add3A_108 = arith.addi %mul3A_105, %mul3A_107 : i32
      %multiple_of3A_109 = tpu.assume_multiple %add3A_108, 128 : i32
      %dma_start3A_110 = arith.constant 1 : i32
      %dma_start3A_111 = arith.constant 0 : i32
      %dma_start3A_112 = tpu.memref_slice %arg4[%dma_start3A_110, %dma_start3A_111] : memref<2x128xi32, #tpu.memory_space<vmem>> -> memref<1x128xi32, #tpu.memory_space<vmem>>
      %dma_start3A_113 = tpu.memref_squeeze %dma_start3A_112 : memref<1x128xi32, #tpu.memory_space<vmem>> -> memref<128xi32, #tpu.memory_space<vmem>>
      %dma_start3A_114 = tpu.memref_slice %arg2[%multiple_of3A_109] : memref<323584xi32, #tpu.memory_space<hbm>> -> memref<128xi32, #tpu.memory_space<hbm>>
      %dma_start3A_115 = arith.constant 0 : i32
      %dma_start3A_116 = tpu.memref_slice %arg4[%dma_start3A_110, %dma_start3A_115] : memref<2x128xi32, #tpu.memory_space<vmem>> -> memref<1x128xi32, #tpu.memory_space<vmem>>
      %dma_start3A_117 = tpu.memref_squeeze %dma_start3A_116 : memref<1x128xi32, #tpu.memory_space<vmem>> -> memref<128xi32, #tpu.memory_space<vmem>>
      %dma_start3A_118 = tpu.memref_slice %arg2[%multiple_of3A_109] : memref<323584xi32, #tpu.memory_space<hbm>> -> memref<128xi32, #tpu.memory_space<hbm>>
      tpu.enqueue_dma source(%dma_start3A_118 : memref<128xi32, #tpu.memory_space<hbm>>) target(%dma_start3A_117 : memref<128xi32, #tpu.memory_space<vmem>>) target_semaphore(%arg9 : memref<!tpu.dma_semaphore, #tpu.memory_space<semaphore_mem>>)
      %run_scoped3A_119 = arith.constant 0 : i32
      "tpu.region"() ({
        %run_scoped3A_156 = tpu.sem_alloc : memref<!tpu.dma_semaphore, #tpu.memory_space<semaphore_mem>>
        %dma_start3A_157 = arith.constant 0 : i32
        %dma_start3A_158 = tpu.memref_slice %arg4[%run_scoped3A_119, %dma_start3A_157] : memref<2x128xi32, #tpu.memory_space<vmem>> -> memref<1x128xi32, #tpu.memory_space<vmem>>
        %dma_start3A_159 = tpu.memref_squeeze %dma_start3A_158 : memref<1x128xi32, #tpu.memory_space<vmem>> -> memref<128xi32, #tpu.memory_space<vmem>>
        %dma_start3A_160 = arith.constant 0 : i32
        %dma_start3A_161 = tpu.memref_slice %arg7[%dma_start3A_160] : memref<10240xf32, #tpu.memory_space<vmem_shared>> -> memref<10240xf32, #tpu.memory_space<vmem_shared>>
        tpu.enqueue_indirect_dma source(%arg5 : memref<128xf32, #tpu.memory_space<vmem>>) target(%dma_start3A_161 : memref<10240xf32, #tpu.memory_space<vmem_shared>>) offsets(%dma_start3A_159 : memref<128xi32, #tpu.memory_space<vmem>>) semaphore(%run_scoped3A_156 : memref<!tpu.dma_semaphore, #tpu.memory_space<semaphore_mem>>) {add = true}
        %dma_wait3A_162 = arith.constant 0 : i32
        %dma_wait3A_163 = tpu.memref_slice %arg4[%run_scoped3A_119, %dma_wait3A_162] : memref<2x128xi32, #tpu.memory_space<vmem>> -> memref<1x128xi32, #tpu.memory_space<vmem>>
        %dma_wait3A_164 = tpu.memref_squeeze %dma_wait3A_163 : memref<1x128xi32, #tpu.memory_space<vmem>> -> memref<128xi32, #tpu.memory_space<vmem>>
        %dma_wait3A_165 = arith.constant 0 : i32
        %dma_wait3A_166 = tpu.memref_slice %arg7[%dma_wait3A_165] : memref<10240xf32, #tpu.memory_space<vmem_shared>> -> memref<10240xf32, #tpu.memory_space<vmem_shared>>
        tpu.wait_indirect_dma semaphore(%run_scoped3A_156 : memref<!tpu.dma_semaphore, #tpu.memory_space<semaphore_mem>>) src(%arg5 : memref<128xf32, #tpu.memory_space<vmem>>) dst(%dma_wait3A_166 : memref<10240xf32, #tpu.memory_space<vmem_shared>>)
        tpu.yield
      }) : () -> ()
      %add3A_120 = arith.constant 1 : i32
      %add3A_121 = arith.addi %mul3A_86, %add3A_120 : i32
      %mul3A_122 = arith.constant 10112 : i32
      %mul3A_123 = arith.muli %add3A, %mul3A_122 : i32
      %mul3A_124 = arith.constant 128 : i32
      %mul3A_125 = arith.muli %add3A_121, %mul3A_124 : i32
      %add3A_126 = arith.addi %mul3A_123, %mul3A_125 : i32
      %multiple_of3A_127 = tpu.assume_multiple %add3A_126, 128 : i32
      %dma_wait3A_128 = arith.constant 1 : i32
      %dma_wait3A_129 = arith.constant 0 : i32
      %dma_wait3A_130 = tpu.memref_slice %arg4[%dma_wait3A_128, %dma_wait3A_129] : memref<2x128xi32, #tpu.memory_space<vmem>> -> memref<1x128xi32, #tpu.memory_space<vmem>>
      %dma_wait3A_131 = tpu.memref_squeeze %dma_wait3A_130 : memref<1x128xi32, #tpu.memory_space<vmem>> -> memref<128xi32, #tpu.memory_space<vmem>>
      %dma_wait3A_132 = tpu.memref_slice %arg2[%multiple_of3A_127] : memref<323584xi32, #tpu.memory_space<hbm>> -> memref<128xi32, #tpu.memory_space<hbm>>
      %dma_wait3A_133 = arith.constant 0 : i32
      %dma_wait3A_134 = tpu.memref_slice %arg4[%dma_wait3A_128, %dma_wait3A_133] : memref<2x128xi32, #tpu.memory_space<vmem>> -> memref<1x128xi32, #tpu.memory_space<vmem>>
      %dma_wait3A_135 = tpu.memref_squeeze %dma_wait3A_134 : memref<1x128xi32, #tpu.memory_space<vmem>> -> memref<128xi32, #tpu.memory_space<vmem>>
      %dma_wait3A_136 = tpu.memref_slice %arg2[%multiple_of3A_127] : memref<323584xi32, #tpu.memory_space<hbm>> -> memref<128xi32, #tpu.memory_space<hbm>>
      tpu.wait_dma2 semaphore(%arg9 : memref<!tpu.dma_semaphore, #tpu.memory_space<semaphore_mem>>) src(%dma_wait3A_136 : memref<128xi32, #tpu.memory_space<hbm>>) dst(%dma_wait3A_135 : memref<128xi32, #tpu.memory_space<vmem>>)
      %add3A_137 = arith.constant 2 : i32
      %add3A_138 = arith.addi %mul3A_86, %add3A_137 : i32
      %mul3A_139 = arith.constant 10112 : i32
      %mul3A_140 = arith.muli %add3A, %mul3A_139 : i32
      %mul3A_141 = arith.constant 128 : i32
      %mul3A_142 = arith.muli %add3A_138, %mul3A_141 : i32
      %add3A_143 = arith.addi %mul3A_140, %mul3A_142 : i32
      %multiple_of3A_144 = tpu.assume_multiple %add3A_143, 128 : i32
      %dma_start3A_145 = arith.constant 0 : i32
      %dma_start3A_146 = arith.constant 0 : i32
      %dma_start3A_147 = tpu.memref_slice %arg4[%dma_start3A_145, %dma_start3A_146] : memref<2x128xi32, #tpu.memory_space<vmem>> -> memref<1x128xi32, #tpu.memory_space<vmem>>
      %dma_start3A_148 = tpu.memref_squeeze %dma_start3A_147 : memref<1x128xi32, #tpu.memory_space<vmem>> -> memref<128xi32, #tpu.memory_space<vmem>>
      %dma_start3A_149 = tpu.memref_slice %arg2[%multiple_of3A_144] : memref<323584xi32, #tpu.memory_space<hbm>> -> memref<128xi32, #tpu.memory_space<hbm>>
      %dma_start3A_150 = arith.constant 0 : i32
      %dma_start3A_151 = tpu.memref_slice %arg4[%dma_start3A_145, %dma_start3A_150] : memref<2x128xi32, #tpu.memory_space<vmem>> -> memref<1x128xi32, #tpu.memory_space<vmem>>
      %dma_start3A_152 = tpu.memref_squeeze %dma_start3A_151 : memref<1x128xi32, #tpu.memory_space<vmem>> -> memref<128xi32, #tpu.memory_space<vmem>>
      %dma_start3A_153 = tpu.memref_slice %arg2[%multiple_of3A_144] : memref<323584xi32, #tpu.memory_space<hbm>> -> memref<128xi32, #tpu.memory_space<hbm>>
      tpu.enqueue_dma source(%dma_start3A_153 : memref<128xi32, #tpu.memory_space<hbm>>) target(%dma_start3A_152 : memref<128xi32, #tpu.memory_space<vmem>>) target_semaphore(%arg8 : memref<!tpu.dma_semaphore, #tpu.memory_space<semaphore_mem>>)
      %run_scoped3A_154 = arith.constant 1 : i32
      "tpu.region"() ({
        %run_scoped3A_156 = tpu.sem_alloc : memref<!tpu.dma_semaphore, #tpu.memory_space<semaphore_mem>>
        %dma_start3A_157 = arith.constant 0 : i32
        %dma_start3A_158 = tpu.memref_slice %arg4[%run_scoped3A_154, %dma_start3A_157] : memref<2x128xi32, #tpu.memory_space<vmem>> -> memref<1x128xi32, #tpu.memory_space<vmem>>
        %dma_start3A_159 = tpu.memref_squeeze %dma_start3A_158 : memref<1x128xi32, #tpu.memory_space<vmem>> -> memref<128xi32, #tpu.memory_space<vmem>>
        %dma_start3A_160 = arith.constant 0 : i32
        %dma_start3A_161 = tpu.memref_slice %arg7[%dma_start3A_160] : memref<10240xf32, #tpu.memory_space<vmem_shared>> -> memref<10240xf32, #tpu.memory_space<vmem_shared>>
        tpu.enqueue_indirect_dma source(%arg5 : memref<128xf32, #tpu.memory_space<vmem>>) target(%dma_start3A_161 : memref<10240xf32, #tpu.memory_space<vmem_shared>>) offsets(%dma_start3A_159 : memref<128xi32, #tpu.memory_space<vmem>>) semaphore(%run_scoped3A_156 : memref<!tpu.dma_semaphore, #tpu.memory_space<semaphore_mem>>) {add = true}
        %dma_wait3A_162 = arith.constant 0 : i32
        %dma_wait3A_163 = tpu.memref_slice %arg4[%run_scoped3A_154, %dma_wait3A_162] : memref<2x128xi32, #tpu.memory_space<vmem>> -> memref<1x128xi32, #tpu.memory_space<vmem>>
        %dma_wait3A_164 = tpu.memref_squeeze %dma_wait3A_163 : memref<1x128xi32, #tpu.memory_space<vmem>> -> memref<128xi32, #tpu.memory_space<vmem>>
        %dma_wait3A_165 = arith.constant 0 : i32
        %dma_wait3A_166 = tpu.memref_slice %arg7[%dma_wait3A_165] : memref<10240xf32, #tpu.memory_space<vmem_shared>> -> memref<10240xf32, #tpu.memory_space<vmem_shared>>
        tpu.wait_indirect_dma semaphore(%run_scoped3A_156 : memref<!tpu.dma_semaphore, #tpu.memory_space<semaphore_mem>>) src(%arg5 : memref<128xf32, #tpu.memory_space<vmem>>) dst(%dma_wait3A_166 : memref<10240xf32, #tpu.memory_space<vmem_shared>>)
        tpu.yield
      }) : () -> ()
      %scan3A_155 = arith.constant 0 : i32
      scf.yield %scan3A_155 : i32
    }
    %scan3A_61 = arith.constant 39 : i32
    %mul3A_62 = arith.constant 10112 : i32
    %mul3A_63 = arith.muli %add3A, %mul3A_62 : i32
    %add3A_64 = arith.constant 9984 : i32
    %add3A_65 = arith.addi %mul3A_63, %add3A_64 : i32
    %multiple_of3A_66 = tpu.assume_multiple %add3A_65, 128 : i32
    %dma_wait3A = arith.constant 0 : i32
    %dma_wait3A_67 = arith.constant 0 : i32
    %dma_wait3A_68 = tpu.memref_slice %arg4[%dma_wait3A, %dma_wait3A_67] : memref<2x128xi32, #tpu.memory_space<vmem>> -> memref<1x128xi32, #tpu.memory_space<vmem>>
    %dma_wait3A_69 = tpu.memref_squeeze %dma_wait3A_68 : memref<1x128xi32, #tpu.memory_space<vmem>> -> memref<128xi32, #tpu.memory_space<vmem>>
    %dma_wait3A_70 = tpu.memref_slice %arg2[%multiple_of3A_66] : memref<323584xi32, #tpu.memory_space<hbm>> -> memref<128xi32, #tpu.memory_space<hbm>>
    %dma_wait3A_71 = arith.constant 0 : i32
    %dma_wait3A_72 = tpu.memref_slice %arg4[%dma_wait3A, %dma_wait3A_71] : memref<2x128xi32, #tpu.memory_space<vmem>> -> memref<1x128xi32, #tpu.memory_space<vmem>>
    %dma_wait3A_73 = tpu.memref_squeeze %dma_wait3A_72 : memref<1x128xi32, #tpu.memory_space<vmem>> -> memref<128xi32, #tpu.memory_space<vmem>>
    %dma_wait3A_74 = tpu.memref_slice %arg2[%multiple_of3A_66] : memref<323584xi32, #tpu.memory_space<hbm>> -> memref<128xi32, #tpu.memory_space<hbm>>
    tpu.wait_dma2 semaphore(%arg8 : memref<!tpu.dma_semaphore, #tpu.memory_space<semaphore_mem>>) src(%dma_wait3A_74 : memref<128xi32, #tpu.memory_space<hbm>>) dst(%dma_wait3A_73 : memref<128xi32, #tpu.memory_space<vmem>>)
    %run_scoped3A = arith.constant 0 : i32
    "tpu.region"() ({
      %run_scoped3A_83 = tpu.sem_alloc : memref<!tpu.dma_semaphore, #tpu.memory_space<semaphore_mem>>
      %dma_start3A_84 = arith.constant 0 : i32
      %dma_start3A_85 = tpu.memref_slice %arg4[%run_scoped3A, %dma_start3A_84] : memref<2x128xi32, #tpu.memory_space<vmem>> -> memref<1x128xi32, #tpu.memory_space<vmem>>
      %dma_start3A_86 = tpu.memref_squeeze %dma_start3A_85 : memref<1x128xi32, #tpu.memory_space<vmem>> -> memref<128xi32, #tpu.memory_space<vmem>>
      %dma_start3A_87 = arith.constant 0 : i32
      %dma_start3A_88 = tpu.memref_slice %arg7[%dma_start3A_87] : memref<10240xf32, #tpu.memory_space<vmem_shared>> -> memref<10240xf32, #tpu.memory_space<vmem_shared>>
      tpu.enqueue_indirect_dma source(%arg5 : memref<128xf32, #tpu.memory_space<vmem>>) target(%dma_start3A_88 : memref<10240xf32, #tpu.memory_space<vmem_shared>>) offsets(%dma_start3A_86 : memref<128xi32, #tpu.memory_space<vmem>>) semaphore(%run_scoped3A_83 : memref<!tpu.dma_semaphore, #tpu.memory_space<semaphore_mem>>) {add = true}
      %dma_wait3A_89 = arith.constant 0 : i32
      %dma_wait3A_90 = tpu.memref_slice %arg4[%run_scoped3A, %dma_wait3A_89] : memref<2x128xi32, #tpu.memory_space<vmem>> -> memref<1x128xi32, #tpu.memory_space<vmem>>
      %dma_wait3A_91 = tpu.memref_squeeze %dma_wait3A_90 : memref<1x128xi32, #tpu.memory_space<vmem>> -> memref<128xi32, #tpu.memory_space<vmem>>
      %dma_wait3A_92 = arith.constant 0 : i32
      %dma_wait3A_93 = tpu.memref_slice %arg7[%dma_wait3A_92] : memref<10240xf32, #tpu.memory_space<vmem_shared>> -> memref<10240xf32, #tpu.memory_space<vmem_shared>>
      tpu.wait_indirect_dma semaphore(%run_scoped3A_83 : memref<!tpu.dma_semaphore, #tpu.memory_space<semaphore_mem>>) src(%arg5 : memref<128xf32, #tpu.memory_space<vmem>>) dst(%dma_wait3A_93 : memref<10240xf32, #tpu.memory_space<vmem_shared>>)
      tpu.yield
    }) : () -> ()
    %barrier3A_75 = arith.constant 0 : index
    tpu.barrier barrier_id(%barrier3A_75)
    %mul3A_76 = arith.constant 640 : i32
    %mul3A_77 = arith.muli %arg1, %mul3A_76 : i32
    %mul3A_78 = arith.constant 10240 : i32
    %mul3A_79 = arith.muli %arg0, %mul3A_78 : i32
    %mul3A_80 = arith.constant 640 : i32
    %mul3A_81 = arith.muli %arg1, %mul3A_80 : i32
    %add3A_82 = arith.addi %mul3A_79, %mul3A_81 : i32
    "tpu.region"() ({
      %run_scoped3A_83 = tpu.sem_alloc : memref<!tpu.dma_semaphore, #tpu.memory_space<semaphore_mem>>
      %dma_start3A_84 = tpu.memref_slice %arg3[%add3A_82] : memref<20480xf32, #tpu.memory_space<hbm>> -> memref<640xf32, #tpu.memory_space<hbm>>
      %dma_start3A_85 = tpu.memref_slice %arg7[%mul3A_77] : memref<10240xf32, #tpu.memory_space<vmem_shared>> -> memref<640xf32, #tpu.memory_space<vmem_shared>>
      tpu.enqueue_dma source(%dma_start3A_85 : memref<640xf32, #tpu.memory_space<vmem_shared>>) target(%dma_start3A_84 : memref<640xf32, #tpu.memory_space<hbm>>) target_semaphore(%run_scoped3A_83 : memref<!tpu.dma_semaphore, #tpu.memory_space<semaphore_mem>>)
      %dma_wait3A_86 = tpu.memref_slice %arg3[%add3A_82] : memref<20480xf32, #tpu.memory_space<hbm>> -> memref<640xf32, #tpu.memory_space<hbm>>
      %dma_wait3A_87 = tpu.memref_slice %arg7[%mul3A_77] : memref<10240xf32, #tpu.memory_space<vmem_shared>> -> memref<640xf32, #tpu.memory_space<vmem_shared>>
      tpu.wait_dma2 semaphore(%run_scoped3A_83 : memref<!tpu.dma_semaphore, #tpu.memory_space<semaphore_mem>>) src(%dma_wait3A_87 : memref<640xf32, #tpu.memory_space<vmem_shared>>) dst(%dma_wait3A_86 : memref<640xf32, #tpu.memory_space<hbm>>)
      tpu.yield
    }) : () -> ()
    return
  }
}

#map = affine_map<(d0, d1) -> (0, 0)>
#map1 = affine_map<(d0, d1) -> (0)>
#map2 = affine_map<(d0, d1) -> (0, 0, 0)>
module attributes {stable_mosaic.version = 14 : i64} {
  func.func @seg_kernel(%arg0: i32, %arg1: i32, %arg2: memref<10240x128xf32, #tpu.memory_space<hbm>>, %arg3: memref<323584xi32, #tpu.memory_space<hbm>>, %arg4: memref<323584xi32, #tpu.memory_space<hbm>>, %arg5: memref<128x128xf32, #tpu.memory_space<hbm>>, %arg6: memref<2x10240x128xf32, #tpu.memory_space<hbm>>, %arg7: memref<128xi32, #tpu.memory_space<vmem>>, %arg8: memref<128xi32, #tpu.memory_space<vmem>>, %arg9: memref<128x128xf32, #tpu.memory_space<vmem>>, %arg10: memref<10240x128xf32, #tpu.memory_space<vmem_shared>>, %arg11: memref<!tpu.dma_semaphore, #tpu.memory_space<semaphore_mem>>, %arg12: memref<!tpu.dma_semaphore, #tpu.memory_space<semaphore_mem>>, %arg13: memref<!tpu.dma_semaphore, #tpu.memory_space<semaphore_mem>>) attributes {dimension_semantics = [#tpu.dimension_semantics<core_parallel>, #tpu.dimension_semantics<subcore_parallel>], iteration_bounds = array<i64: 2, 16>, scalar_prefetch = 0 : i64, scratch_operands = 7 : i64, tpu.core_type = #tpu.core_type<sc_vector_subcore>, window_params = [{transform_indices = #map}, {transform_indices = #map1}, {transform_indices = #map1}, {transform_indices = #map}, {transform_indices = #map2}]} {
    %mul3A = arith.constant 2 : i32
    %mul3A_0 = arith.muli %arg1, %mul3A : i32
    %add3A = arith.addi %mul3A_0, %arg0 : i32
    %mul3A_1 = arith.constant 640 : i32
    %mul3A_2 = arith.muli %arg1, %mul3A_1 : i32
    %add3A_3 = arith.constant 0 : i32
    %add3A_4 = arith.addi %mul3A_2, %add3A_3 : i32
    "tpu.region"() ({
      %run_scoped3A = tpu.sem_alloc : memref<!tpu.dma_semaphore, #tpu.memory_space<semaphore_mem>>
      %dma_start3A = arith.constant 0 : i32
      %dma_start3A_32 = tpu.memref_slice %arg10[%add3A_4, %dma_start3A] : memref<10240x128xf32, #tpu.memory_space<vmem_shared>> -> memref<128x128xf32, #tpu.memory_space<vmem_shared>>
      tpu.enqueue_dma source(%arg5 : memref<128x128xf32, #tpu.memory_space<hbm>>) target(%dma_start3A_32 : memref<128x128xf32, #tpu.memory_space<vmem_shared>>) target_semaphore(%run_scoped3A : memref<!tpu.dma_semaphore, #tpu.memory_space<semaphore_mem>>)
      %dma_wait3A = arith.constant 0 : i32
      %dma_wait3A_33 = tpu.memref_slice %arg10[%add3A_4, %dma_wait3A] : memref<10240x128xf32, #tpu.memory_space<vmem_shared>> -> memref<128x128xf32, #tpu.memory_space<vmem_shared>>
      tpu.wait_dma2 semaphore(%run_scoped3A : memref<!tpu.dma_semaphore, #tpu.memory_space<semaphore_mem>>) src(%arg5 : memref<128x128xf32, #tpu.memory_space<hbm>>) dst(%dma_wait3A_33 : memref<128x128xf32, #tpu.memory_space<vmem_shared>>)
      tpu.yield
    }) : () -> ()
    %mul3A_5 = arith.constant 640 : i32
    %mul3A_6 = arith.muli %arg1, %mul3A_5 : i32
    %add3A_7 = arith.constant 128 : i32
    %add3A_8 = arith.addi %mul3A_6, %add3A_7 : i32
    "tpu.region"() ({
      %run_scoped3A = tpu.sem_alloc : memref<!tpu.dma_semaphore, #tpu.memory_space<semaphore_mem>>
      %dma_start3A = arith.constant 0 : i32
      %dma_start3A_32 = tpu.memref_slice %arg10[%add3A_8, %dma_start3A] : memref<10240x128xf32, #tpu.memory_space<vmem_shared>> -> memref<128x128xf32, #tpu.memory_space<vmem_shared>>
      tpu.enqueue_dma source(%arg5 : memref<128x128xf32, #tpu.memory_space<hbm>>) target(%dma_start3A_32 : memref<128x128xf32, #tpu.memory_space<vmem_shared>>) target_semaphore(%run_scoped3A : memref<!tpu.dma_semaphore, #tpu.memory_space<semaphore_mem>>)
      %dma_wait3A = arith.constant 0 : i32
      %dma_wait3A_33 = tpu.memref_slice %arg10[%add3A_8, %dma_wait3A] : memref<10240x128xf32, #tpu.memory_space<vmem_shared>> -> memref<128x128xf32, #tpu.memory_space<vmem_shared>>
      tpu.wait_dma2 semaphore(%run_scoped3A : memref<!tpu.dma_semaphore, #tpu.memory_space<semaphore_mem>>) src(%arg5 : memref<128x128xf32, #tpu.memory_space<hbm>>) dst(%dma_wait3A_33 : memref<128x128xf32, #tpu.memory_space<vmem_shared>>)
      tpu.yield
    }) : () -> ()
    %mul3A_9 = arith.constant 640 : i32
    %mul3A_10 = arith.muli %arg1, %mul3A_9 : i32
    %add3A_11 = arith.constant 256 : i32
    %add3A_12 = arith.addi %mul3A_10, %add3A_11 : i32
    "tpu.region"() ({
      %run_scoped3A = tpu.sem_alloc : memref<!tpu.dma_semaphore, #tpu.memory_space<semaphore_mem>>
      %dma_start3A = arith.constant 0 : i32
      %dma_start3A_32 = tpu.memref_slice %arg10[%add3A_12, %dma_start3A] : memref<10240x128xf32, #tpu.memory_space<vmem_shared>> -> memref<128x128xf32, #tpu.memory_space<vmem_shared>>
      tpu.enqueue_dma source(%arg5 : memref<128x128xf32, #tpu.memory_space<hbm>>) target(%dma_start3A_32 : memref<128x128xf32, #tpu.memory_space<vmem_shared>>) target_semaphore(%run_scoped3A : memref<!tpu.dma_semaphore, #tpu.memory_space<semaphore_mem>>)
      %dma_wait3A = arith.constant 0 : i32
      %dma_wait3A_33 = tpu.memref_slice %arg10[%add3A_12, %dma_wait3A] : memref<10240x128xf32, #tpu.memory_space<vmem_shared>> -> memref<128x128xf32, #tpu.memory_space<vmem_shared>>
      tpu.wait_dma2 semaphore(%run_scoped3A : memref<!tpu.dma_semaphore, #tpu.memory_space<semaphore_mem>>) src(%arg5 : memref<128x128xf32, #tpu.memory_space<hbm>>) dst(%dma_wait3A_33 : memref<128x128xf32, #tpu.memory_space<vmem_shared>>)
      tpu.yield
    }) : () -> ()
    %mul3A_13 = arith.constant 640 : i32
    %mul3A_14 = arith.muli %arg1, %mul3A_13 : i32
    %add3A_15 = arith.constant 384 : i32
    %add3A_16 = arith.addi %mul3A_14, %add3A_15 : i32
    "tpu.region"() ({
      %run_scoped3A = tpu.sem_alloc : memref<!tpu.dma_semaphore, #tpu.memory_space<semaphore_mem>>
      %dma_start3A = arith.constant 0 : i32
      %dma_start3A_32 = tpu.memref_slice %arg10[%add3A_16, %dma_start3A] : memref<10240x128xf32, #tpu.memory_space<vmem_shared>> -> memref<128x128xf32, #tpu.memory_space<vmem_shared>>
      tpu.enqueue_dma source(%arg5 : memref<128x128xf32, #tpu.memory_space<hbm>>) target(%dma_start3A_32 : memref<128x128xf32, #tpu.memory_space<vmem_shared>>) target_semaphore(%run_scoped3A : memref<!tpu.dma_semaphore, #tpu.memory_space<semaphore_mem>>)
      %dma_wait3A = arith.constant 0 : i32
      %dma_wait3A_33 = tpu.memref_slice %arg10[%add3A_16, %dma_wait3A] : memref<10240x128xf32, #tpu.memory_space<vmem_shared>> -> memref<128x128xf32, #tpu.memory_space<vmem_shared>>
      tpu.wait_dma2 semaphore(%run_scoped3A : memref<!tpu.dma_semaphore, #tpu.memory_space<semaphore_mem>>) src(%arg5 : memref<128x128xf32, #tpu.memory_space<hbm>>) dst(%dma_wait3A_33 : memref<128x128xf32, #tpu.memory_space<vmem_shared>>)
      tpu.yield
    }) : () -> ()
    %mul3A_17 = arith.constant 640 : i32
    %mul3A_18 = arith.muli %arg1, %mul3A_17 : i32
    %add3A_19 = arith.constant 512 : i32
    %add3A_20 = arith.addi %mul3A_18, %add3A_19 : i32
    "tpu.region"() ({
      %run_scoped3A = tpu.sem_alloc : memref<!tpu.dma_semaphore, #tpu.memory_space<semaphore_mem>>
      %dma_start3A = arith.constant 0 : i32
      %dma_start3A_32 = tpu.memref_slice %arg10[%add3A_20, %dma_start3A] : memref<10240x128xf32, #tpu.memory_space<vmem_shared>> -> memref<128x128xf32, #tpu.memory_space<vmem_shared>>
      tpu.enqueue_dma source(%arg5 : memref<128x128xf32, #tpu.memory_space<hbm>>) target(%dma_start3A_32 : memref<128x128xf32, #tpu.memory_space<vmem_shared>>) target_semaphore(%run_scoped3A : memref<!tpu.dma_semaphore, #tpu.memory_space<semaphore_mem>>)
      %dma_wait3A = arith.constant 0 : i32
      %dma_wait3A_33 = tpu.memref_slice %arg10[%add3A_20, %dma_wait3A] : memref<10240x128xf32, #tpu.memory_space<vmem_shared>> -> memref<128x128xf32, #tpu.memory_space<vmem_shared>>
      tpu.wait_dma2 semaphore(%run_scoped3A : memref<!tpu.dma_semaphore, #tpu.memory_space<semaphore_mem>>) src(%arg5 : memref<128x128xf32, #tpu.memory_space<hbm>>) dst(%dma_wait3A_33 : memref<128x128xf32, #tpu.memory_space<vmem_shared>>)
      tpu.yield
    }) : () -> ()
    %barrier3A = arith.constant 0 : index
    tpu.barrier barrier_id(%barrier3A)
    %scan3A = arith.constant 0 : i32
    %scan3A_21 = arith.constant 0 : i32
    %scan3A_22 = arith.constant 79 : i32
    %scan3A_23 = arith.addi %scan3A_21, %scan3A_22 : i32
    %scan3A_24 = arith.constant 1 : i32
    %scan3A_25 = scf.for %scan3A_32 = %scan3A_21 to %scan3A_23 step %scan3A_24 iter_args(%scan3A_33 = %scan3A) -> (i32)  : i32 {
      %mul3A_34 = arith.constant 10112 : i32
      %mul3A_35 = arith.muli %add3A, %mul3A_34 : i32
      %mul3A_36 = arith.constant 128 : i32
      %mul3A_37 = arith.muli %scan3A_32, %mul3A_36 : i32
      %add3A_38 = arith.addi %mul3A_35, %mul3A_37 : i32
      %multiple_of3A = tpu.assume_multiple %add3A_38, 128 : i32
      %dma_start3A = tpu.memref_slice %arg3[%multiple_of3A] : memref<323584xi32, #tpu.memory_space<hbm>> -> memref<128xi32, #tpu.memory_space<hbm>>
      %dma_start3A_39 = tpu.memref_slice %arg3[%multiple_of3A] : memref<323584xi32, #tpu.memory_space<hbm>> -> memref<128xi32, #tpu.memory_space<hbm>>
      tpu.enqueue_dma source(%dma_start3A_39 : memref<128xi32, #tpu.memory_space<hbm>>) target(%arg7 : memref<128xi32, #tpu.memory_space<vmem>>) target_semaphore(%arg12 : memref<!tpu.dma_semaphore, #tpu.memory_space<semaphore_mem>>)
      %dma_start3A_40 = tpu.memref_slice %arg4[%multiple_of3A] : memref<323584xi32, #tpu.memory_space<hbm>> -> memref<128xi32, #tpu.memory_space<hbm>>
      %dma_start3A_41 = tpu.memref_slice %arg4[%multiple_of3A] : memref<323584xi32, #tpu.memory_space<hbm>> -> memref<128xi32, #tpu.memory_space<hbm>>
      tpu.enqueue_dma source(%dma_start3A_41 : memref<128xi32, #tpu.memory_space<hbm>>) target(%arg8 : memref<128xi32, #tpu.memory_space<vmem>>) target_semaphore(%arg13 : memref<!tpu.dma_semaphore, #tpu.memory_space<semaphore_mem>>)
      %dma_wait3A = tpu.memref_slice %arg4[%multiple_of3A] : memref<323584xi32, #tpu.memory_space<hbm>> -> memref<128xi32, #tpu.memory_space<hbm>>
      %dma_wait3A_42 = tpu.memref_slice %arg4[%multiple_of3A] : memref<323584xi32, #tpu.memory_space<hbm>> -> memref<128xi32, #tpu.memory_space<hbm>>
      tpu.wait_dma2 semaphore(%arg13 : memref<!tpu.dma_semaphore, #tpu.memory_space<semaphore_mem>>) src(%dma_wait3A_42 : memref<128xi32, #tpu.memory_space<hbm>>) dst(%arg8 : memref<128xi32, #tpu.memory_space<vmem>>)
      %dma_start3A_43 = arith.constant 0 : i32
      %dma_start3A_44 = arith.constant 0 : i32
      %dma_start3A_45 = tpu.memref_slice %arg2[%dma_start3A_43, %dma_start3A_44] : memref<10240x128xf32, #tpu.memory_space<hbm>> -> memref<10240x128xf32, #tpu.memory_space<hbm>>
      tpu.enqueue_indirect_dma source(%dma_start3A_45 : memref<10240x128xf32, #tpu.memory_space<hbm>>) target(%arg9 : memref<128x128xf32, #tpu.memory_space<vmem>>) offsets(%arg8 : memref<128xi32, #tpu.memory_space<vmem>>) semaphore(%arg11 : memref<!tpu.dma_semaphore, #tpu.memory_space<semaphore_mem>>)
      %dma_wait3A_46 = arith.constant 0 : i32
      %dma_wait3A_47 = arith.constant 0 : i32
      %dma_wait3A_48 = tpu.memref_slice %arg2[%dma_wait3A_46, %dma_wait3A_47] : memref<10240x128xf32, #tpu.memory_space<hbm>> -> memref<10240x128xf32, #tpu.memory_space<hbm>>
      tpu.wait_indirect_dma semaphore(%arg11 : memref<!tpu.dma_semaphore, #tpu.memory_space<semaphore_mem>>) src(%dma_wait3A_48 : memref<10240x128xf32, #tpu.memory_space<hbm>>) dst(%arg9 : memref<128x128xf32, #tpu.memory_space<vmem>>)
      %dma_wait3A_49 = tpu.memref_slice %arg3[%multiple_of3A] : memref<323584xi32, #tpu.memory_space<hbm>> -> memref<128xi32, #tpu.memory_space<hbm>>
      %dma_wait3A_50 = tpu.memref_slice %arg3[%multiple_of3A] : memref<323584xi32, #tpu.memory_space<hbm>> -> memref<128xi32, #tpu.memory_space<hbm>>
      tpu.wait_dma2 semaphore(%arg12 : memref<!tpu.dma_semaphore, #tpu.memory_space<semaphore_mem>>) src(%dma_wait3A_50 : memref<128xi32, #tpu.memory_space<hbm>>) dst(%arg7 : memref<128xi32, #tpu.memory_space<vmem>>)
      "tpu.region"() ({
        %run_scoped3A = tpu.sem_alloc : memref<!tpu.dma_semaphore, #tpu.memory_space<semaphore_mem>>
        %dma_start3A_52 = arith.constant 0 : i32
        %dma_start3A_53 = arith.constant 0 : i32
        %dma_start3A_54 = tpu.memref_slice %arg10[%dma_start3A_52, %dma_start3A_53] : memref<10240x128xf32, #tpu.memory_space<vmem_shared>> -> memref<10240x128xf32, #tpu.memory_space<vmem_shared>>
        tpu.enqueue_indirect_dma source(%arg9 : memref<128x128xf32, #tpu.memory_space<vmem>>) target(%dma_start3A_54 : memref<10240x128xf32, #tpu.memory_space<vmem_shared>>) offsets(%arg7 : memref<128xi32, #tpu.memory_space<vmem>>) semaphore(%run_scoped3A : memref<!tpu.dma_semaphore, #tpu.memory_space<semaphore_mem>>) {add = true}
        %dma_wait3A_55 = arith.constant 0 : i32
        %dma_wait3A_56 = arith.constant 0 : i32
        %dma_wait3A_57 = tpu.memref_slice %arg10[%dma_wait3A_55, %dma_wait3A_56] : memref<10240x128xf32, #tpu.memory_space<vmem_shared>> -> memref<10240x128xf32, #tpu.memory_space<vmem_shared>>
        tpu.wait_indirect_dma semaphore(%run_scoped3A : memref<!tpu.dma_semaphore, #tpu.memory_space<semaphore_mem>>) src(%arg9 : memref<128x128xf32, #tpu.memory_space<vmem>>) dst(%dma_wait3A_57 : memref<10240x128xf32, #tpu.memory_space<vmem_shared>>)
        tpu.yield
      }) : () -> ()
      %scan3A_51 = arith.constant 0 : i32
      scf.yield %scan3A_51 : i32
    }
    %scan3A_26 = arith.constant 79 : i32
    %barrier3A_27 = arith.constant 0 : index
    tpu.barrier barrier_id(%barrier3A_27)
    %mul3A_28 = arith.constant 640 : i32
    %mul3A_29 = arith.muli %arg1, %mul3A_28 : i32
    %mul3A_30 = arith.constant 640 : i32
    %mul3A_31 = arith.muli %arg1, %mul3A_30 : i32
    "tpu.region"() ({
      %run_scoped3A = tpu.sem_alloc : memref<!tpu.dma_semaphore, #tpu.memory_space<semaphore_mem>>
      %dma_start3A = arith.constant 0 : i32
      %dma_start3A_32 = tpu.memref_slice %arg6[%arg0, %mul3A_31, %dma_start3A] : memref<2x10240x128xf32, #tpu.memory_space<hbm>> -> memref<1x640x128xf32, #tpu.memory_space<hbm>>
      %dma_start3A_33 = tpu.memref_squeeze %dma_start3A_32 : memref<1x640x128xf32, #tpu.memory_space<hbm>> -> memref<640x128xf32, #tpu.memory_space<hbm>>
      %dma_start3A_34 = arith.constant 0 : i32
      %dma_start3A_35 = tpu.memref_slice %arg10[%mul3A_29, %dma_start3A_34] : memref<10240x128xf32, #tpu.memory_space<vmem_shared>> -> memref<640x128xf32, #tpu.memory_space<vmem_shared>>
      tpu.enqueue_dma source(%dma_start3A_35 : memref<640x128xf32, #tpu.memory_space<vmem_shared>>) target(%dma_start3A_33 : memref<640x128xf32, #tpu.memory_space<hbm>>) target_semaphore(%run_scoped3A : memref<!tpu.dma_semaphore, #tpu.memory_space<semaphore_mem>>)
      %dma_wait3A = arith.constant 0 : i32
      %dma_wait3A_36 = tpu.memref_slice %arg6[%arg0, %mul3A_31, %dma_wait3A] : memref<2x10240x128xf32, #tpu.memory_space<hbm>> -> memref<1x640x128xf32, #tpu.memory_space<hbm>>
      %dma_wait3A_37 = tpu.memref_squeeze %dma_wait3A_36 : memref<1x640x128xf32, #tpu.memory_space<hbm>> -> memref<640x128xf32, #tpu.memory_space<hbm>>
      %dma_wait3A_38 = arith.constant 0 : i32
      %dma_wait3A_39 = tpu.memref_slice %arg10[%mul3A_29, %dma_wait3A_38] : memref<10240x128xf32, #tpu.memory_space<vmem_shared>> -> memref<640x128xf32, #tpu.memory_space<vmem_shared>>
      tpu.wait_dma2 semaphore(%run_scoped3A : memref<!tpu.dma_semaphore, #tpu.memory_space<semaphore_mem>>) src(%dma_wait3A_39 : memref<640x128xf32, #tpu.memory_space<vmem_shared>>) dst(%dma_wait3A_37 : memref<640x128xf32, #tpu.memory_space<hbm>>)
      tpu.yield
    }) : () -> ()
    return
  }
}

module attributes {stable_mosaic.version = 14 : i64} {
  func.func @_tc_g_body(%arg0: i32, %arg1: memref<1280x128xf32, #tpu.memory_space<vmem>>, %arg2: memref<128x128xf32, #tpu.memory_space<vmem>>, %arg3: memref<1280x2xf32, #tpu.memory_space<vmem>>, %arg4: memref<1280x128xf32, #tpu.memory_space<vmem>>) attributes {dimension_semantics = [#tpu.dimension_semantics<arbitrary>], iteration_bounds = array<i64: 8>, scalar_prefetch = 0 : i64, scratch_operands = 0 : i64, tpu.core_type = #tpu.core_type<tc>, window_params = [{transform_indices = @transform_0, window_bounds = array<i64: 1280, 128>}, {pipeline_mode = #tpu.pipeline_mode<synchronous>, transform_indices = @transform_1, window_bounds = array<i64: 128, 128>}, {transform_indices = @transform_2, window_bounds = array<i64: 1280, 2>}, {transform_indices = @transform_3, window_bounds = array<i64: 1280, 128>}]} {
    %get3A = arith.constant 0 : index
    %get3A_0 = arith.constant 0 : index
    %get3A_1 = vector.load %arg3[%get3A, %get3A_0] : memref<1280x2xf32, #tpu.memory_space<vmem>>, vector<1280x2xf32>
    %slice3A = vector.extract_strided_slice %get3A_1 {offsets = [0, 0], sizes = [1280, 1], strides = [1, 1]} : vector<1280x2xf32> to vector<1280x1xf32>
    %squeeze3A = vector.shape_cast %slice3A : vector<1280x1xf32> to vector<1280xf32>
    %add3A = arith.constant 1.000000e+00 : f32
    %add3A_2 = vector.broadcast %add3A : f32 to vector<1280xf32>
    %add3A_3 = arith.addf %add3A_2, %squeeze3A : vector<1280xf32>
    %slice3A_4 = vector.extract_strided_slice %get3A_1 {offsets = [0, 1], sizes = [1280, 1], strides = [1, 1]} : vector<1280x2xf32> to vector<1280x1xf32>
    %squeeze3A_5 = vector.shape_cast %slice3A_4 : vector<1280x1xf32> to vector<1280xf32>
    %add3A_6 = arith.addf %add3A_3, %squeeze3A_5 : vector<1280xf32>
    %rsqrt3A = math.rsqrt %add3A_6 : vector<1280xf32>
    %get3A_7 = arith.constant 0 : index
    %get3A_8 = arith.constant 0 : index
    %get3A_9 = vector.load %arg1[%get3A_7, %get3A_8] : memref<1280x128xf32, #tpu.memory_space<vmem>>, vector<1280x128xf32>
    %get3A_10 = arith.constant 0 : index
    %get3A_11 = arith.constant 0 : index
    %get3A_12 = vector.load %arg2[%get3A_10, %get3A_11] : memref<128x128xf32, #tpu.memory_space<vmem>>, vector<128x128xf32>
    %dot_general3A = arith.constant dense<0.000000e+00> : vector<1280x128xf32>
    %dot_general3A_13 = tpu.matmul %get3A_9, %get3A_12, %dot_general3A {dimension_numbers = #tpu.dot_dimension_numbers<[1], [0], [0], [1], [0, 0, 1, 1], [], []>, transpose_lhs_hint = false} : vector<1280x128xf32>, vector<128x128xf32>, vector<1280x128xf32> -> vector<1280x128xf32>
    %broadcast_in_dim3A = vector.shape_cast %rsqrt3A : vector<1280xf32> to vector<1280x1xf32>
    %mul3A = vector.broadcast %broadcast_in_dim3A : vector<1280x1xf32> to vector<1280x128xf32>
    %mul3A_14 = arith.mulf %dot_general3A_13, %mul3A : vector<1280x128xf32>
    %swap3A = arith.constant 0 : index
    %swap3A_15 = arith.constant 0 : index
    %swap3A_16 = vector.load %arg4[%swap3A, %swap3A_15] : memref<1280x128xf32, #tpu.memory_space<vmem>>, vector<1280x128xf32>
    tpu.vector_store %arg4[%swap3A, %swap3A_15], %mul3A_14 {strides = array<i32>} : memref<1280x128xf32, #tpu.memory_space<vmem>>, vector<1280x128xf32>,
    return
  }
  func.func @transform_0(%arg0: i32) -> (i32, i32) {
    %c0_i32 = arith.constant 0 : i32
    %c0_i32_0 = arith.constant 0 : i32
    return %arg0, %c0_i32 : i32, i32
  }
  func.func @transform_1(%arg0: i32) -> (i32, i32) {
    %c0_i32 = arith.constant 0 : i32
    %c0_i32_0 = arith.constant 0 : i32
    %c0_i32_1 = arith.constant 0 : i32
    return %c0_i32, %c0_i32_0 : i32, i32
  }
  func.func @transform_2(%arg0: i32) -> (i32, i32) {
    %c0_i32 = arith.constant 0 : i32
    %c0_i32_0 = arith.constant 0 : i32
    return %arg0, %c0_i32 : i32, i32
  }
  func.func @transform_3(%arg0: i32) -> (i32, i32) {
    %c0_i32 = arith.constant 0 : i32
    %c0_i32_0 = arith.constant 0 : i32
    return %arg0, %c0_i32 : i32, i32
  }
}

module attributes {stable_mosaic.version = 14 : i64} {
  func.func @_tc_out_body(%arg0: i32, %arg1: memref<2x2000x128xf32, #tpu.memory_space<vmem>>, %arg2: memref<2000x128xf32, #tpu.memory_space<vmem>>, %arg3: memref<2000x2xf32, #tpu.memory_space<vmem>>, %arg4: memref<1x128xf32, #tpu.memory_space<vmem>>, %arg5: memref<2000x128xf32, #tpu.memory_space<vmem>>) attributes {dimension_semantics = [#tpu.dimension_semantics<arbitrary>], iteration_bounds = array<i64: 5>, scalar_prefetch = 0 : i64, scratch_operands = 0 : i64, tpu.core_type = #tpu.core_type<tc>, window_params = [{transform_indices = @transform_0, window_bounds = array<i64: 2, 2000, 128>}, {transform_indices = @transform_1, window_bounds = array<i64: 2000, 128>}, {transform_indices = @transform_2, window_bounds = array<i64: 2000, 2>}, {pipeline_mode = #tpu.pipeline_mode<synchronous>, transform_indices = @transform_3, window_bounds = array<i64: 1, 128>}, {transform_indices = @transform_4, window_bounds = array<i64: 2000, 128>}]} {
    %get3A = arith.constant 0 : index
    %get3A_0 = arith.constant 0 : index
    %get3A_1 = vector.load %arg3[%get3A, %get3A_0] : memref<2000x2xf32, #tpu.memory_space<vmem>>, vector<2000x2xf32>
    %slice3A = vector.extract_strided_slice %get3A_1 {offsets = [0, 0], sizes = [2000, 1], strides = [1, 1]} : vector<2000x2xf32> to vector<2000x1xf32>
    %squeeze3A = vector.shape_cast %slice3A : vector<2000x1xf32> to vector<2000xf32>
    %add3A = arith.constant 1.000000e+00 : f32
    %add3A_2 = vector.broadcast %add3A : f32 to vector<2000xf32>
    %add3A_3 = arith.addf %add3A_2, %squeeze3A : vector<2000xf32>
    %slice3A_4 = vector.extract_strided_slice %get3A_1 {offsets = [0, 1], sizes = [2000, 1], strides = [1, 1]} : vector<2000x2xf32> to vector<2000x1xf32>
    %squeeze3A_5 = vector.shape_cast %slice3A_4 : vector<2000x1xf32> to vector<2000xf32>
    %add3A_6 = arith.addf %add3A_3, %squeeze3A_5 : vector<2000xf32>
    %rsqrt3A = math.rsqrt %add3A_6 : vector<2000xf32>
    %get3A_7 = arith.constant 0 : index
    %get3A_8 = arith.constant 0 : index
    %get3A_9 = arith.constant 0 : index
    %get3A_10 = vector.load %arg1[%get3A_7, %get3A_8, %get3A_9] : memref<2x2000x128xf32, #tpu.memory_space<vmem>>, vector<2x2000x128xf32>
    %slice3A_11 = vector.extract_strided_slice %get3A_10 {offsets = [0, 0, 0], sizes = [1, 2000, 128], strides = [1, 1, 1]} : vector<2x2000x128xf32> to vector<1x2000x128xf32>
    %squeeze3A_12 = vector.shape_cast %slice3A_11 : vector<1x2000x128xf32> to vector<2000x128xf32>
    %slice3A_13 = vector.extract_strided_slice %get3A_10 {offsets = [1, 0, 0], sizes = [1, 2000, 128], strides = [1, 1, 1]} : vector<2x2000x128xf32> to vector<1x2000x128xf32>
    %squeeze3A_14 = vector.shape_cast %slice3A_13 : vector<1x2000x128xf32> to vector<2000x128xf32>
    %add3A_15 = arith.addf %squeeze3A_12, %squeeze3A_14 : vector<2000x128xf32>
    %get3A_16 = arith.constant 0 : index
    %get3A_17 = arith.constant 0 : index
    %get3A_18 = vector.load %arg2[%get3A_16, %get3A_17] : memref<2000x128xf32, #tpu.memory_space<vmem>>, vector<2000x128xf32>
    %add3A_19 = arith.addf %add3A_15, %get3A_18 : vector<2000x128xf32>
    %broadcast_in_dim3A = vector.shape_cast %rsqrt3A : vector<2000xf32> to vector<2000x1xf32>
    %mul3A = vector.broadcast %broadcast_in_dim3A : vector<2000x1xf32> to vector<2000x128xf32>
    %mul3A_20 = arith.mulf %add3A_19, %mul3A : vector<2000x128xf32>
    %get3A_21 = arith.constant 0 : index
    %get3A_22 = arith.constant 0 : index
    %get3A_23 = vector.load %arg4[%get3A_21, %get3A_22] : memref<1x128xf32, #tpu.memory_space<vmem>>, vector<1x128xf32>
    %add3A_24 = vector.broadcast %get3A_23 : vector<1x128xf32> to vector<2000x128xf32>
    %add3A_25 = arith.addf %mul3A_20, %add3A_24 : vector<2000x128xf32>
    %swap3A = arith.constant 0 : index
    %swap3A_26 = arith.constant 0 : index
    %swap3A_27 = vector.load %arg5[%swap3A, %swap3A_26] : memref<2000x128xf32, #tpu.memory_space<vmem>>, vector<2000x128xf32>
    tpu.vector_store %arg5[%swap3A, %swap3A_26], %add3A_25 {strides = array<i32>} : memref<2000x128xf32, #tpu.memory_space<vmem>>, vector<2000x128xf32>,
    return
  }
  func.func @transform_0(%arg0: i32) -> (i32, i32, i32) {
    %c0_i32 = arith.constant 0 : i32
    %c0_i32_0 = arith.constant 0 : i32
    %c0_i32_1 = arith.constant 0 : i32
    return %c0_i32, %arg0, %c0_i32_0 : i32, i32, i32
  }
  func.func @transform_1(%arg0: i32) -> (i32, i32) {
    %c0_i32 = arith.constant 0 : i32
    %c0_i32_0 = arith.constant 0 : i32
    return %arg0, %c0_i32 : i32, i32
  }
  func.func @transform_2(%arg0: i32) -> (i32, i32) {
    %c0_i32 = arith.constant 0 : i32
    %c0_i32_0 = arith.constant 0 : i32
    return %arg0, %c0_i32 : i32, i32
  }
  func.func @transform_3(%arg0: i32) -> (i32, i32) {
    %c0_i32 = arith.constant 0 : i32
    %c0_i32_0 = arith.constant 0 : i32
    %c0_i32_1 = arith.constant 0 : i32
    return %c0_i32, %c0_i32_0 : i32, i32
  }
  func.func @transform_4(%arg0: i32) -> (i32, i32) {
    %c0_i32 = arith.constant 0 : i32
    %c0_i32_0 = arith.constant 0 : i32
    return %arg0, %c0_i32 : i32, i32
  }
}

</mosaic_0001>

<sc_bundles>
// kernel: kernel.6.cloned.1.call-start
scs
__scs_entry_jumppad:
0x0: {  	(pc) =	sbr.rel $0x88, $3  }
0x1: {  	(tag) =	ssettag $0x0;
	lr =	simm.s32 $0x1  }
0x2: {  	[smem:$0x3F9D] =	sst lr;
	_ =	strace $0xD0000000  }
0x3: {  	_ = 	snop  }
0x4: {  	_ = 	snop  }
0x5: {  	_ = 	snop  }
0x6: {  	_ = 	snop  }
0x7: {  	_ = 	snop  }
__scs_overlays_trampoline_lowered:
0x8: {  	[smem:$0x3FAC] =	sst s0  }
0x9: {  	[smem:$0x3FAD] =	sst s1  }
0xa: {  	[smem:$0x3FAE] =	sst s2  }
0xb: {  	[smem:$0x3FAF] =	sst s3  }
0xc: {  	[smem:$0x3FB0] =	sst s4  }
0xd: {  	[smem:$0x3FB1] =	sst s5  }
0xe: {  	[smem:$0x3FB2] =	sst s6  }
0xf: {  	[smem:$0x3FB3] =	sst s7  }
0x10: {  	[smem:$0x3FB4] =	sst s8  }
0x11: {  	[smem:$0x3FB5] =	sst s9;
	s0 =	simm.s32 @!p0 $0x0  }
0x12: {  	s1 =	sld [smem:$0x3F9B];
	s0 =	simm.s32 @p0 $0x1  }
0x13: {  	[smem:$0x3FB6] =	sst s0;
	s0 =	simm.s32 @!p1 $0x0  }
0x14: {  	s2 =	sld [smem:$0x3F9A];
	s0 =	simm.s32 @p1 $0x1  }
0x15: {  	[smem:$0x3FB7] =	sst s0;
	s0 =	simm.s32 @!p2 $0x0  }
0x16: {  	s3 =	sld [smem:$0x3FDB];
	s0 =	simm.s32 @p2 $0x1  }
0x17: {  	s4 =	simm.s32 $0x1BF5;
	[smem:$0x3FB9] =	sst s0  }
0x18: {  	s0 =	sld [smem:$0x3F9C];
	_ =	swait.ge [sflag:s4], $0x0  }
0x19: {  	s7 =	sld [smem:$0x3F9D]  }
0x1a: {  	s8 =	sadd.s32 $0xFFFFE003, lr  }
0x1b: {  	s9 =	sadd.s32 $0xFFFFFEF7, lr;
	s5 =	simm.s32 $0xFFFFFFFF;
	p2 =	slt.u32 s8, $0xFFFFF086  }
0x1c: {  	p1 =	slt.u32 s9, $0xF7A;
	s5 =	simm.s32 @!p2 $0x0  }
0x1d: {  	s5 =	simm.s32 @p1 $0x1;
	p0 =	seq.s32 s7, s2  }
0x1e: {  	s7 =	smul.u32 @!p0 $0xF7A, s2;
	p2 =	seq.s32 @!p0 s5, $0x0  }
0x1f: {  	s9 =	smul.u32 $0xF7A, s1;
	s8 =	simm.s32 @!p0 $0x1BF5;
	p2 =	por !p2, p0  }
0x20: {  	[sflag:s8] =	ssyncset.s32 @!p0 $0xFFFFF086;
	s6 =	sadd.s32 @!p0 s3, s7;
	s7 =	simm.s32 @!p0 $0x108  }
0x21: {  	s3 =	sadd.s32 s3, s9;
	s6 =	sadd.s32 @!p0 $0x88, s6;
	s7 =	simm.s32 @p2 $0x1082  }
0x22: {  	[simem:s7], [sflag:s8] =	dma.local @!p0 [hbm:s6], $0xF7A  }
0x23: {  	s9 =	sor.u32 $0xD0000000, s2;
	s6 =	simm.s32 $0x108;
	_ =	swait.ge @!p0 [sflag:s8], $0x0  }
0x24: {  	s3 =	sadd.s32 $0x88, s3;
	s6 =	simm.s32 @!p1 $0x1082;
	[sflag:s4] =	ssyncset.s32 $0xFFFFF086  }
0x25: {  	[simem:s6], [sflag:s4] =	dma.local [hbm:s3], $0xF7A  }
0x26: {  	[smem:$0x3F9D] =	sst s1;
	(tag) =	ssettag s2;
	_ =	strace s9  }
0x27: {  	s1 =	sld [smem:$0x3FAD]  }
0x28: {  	s2 =	sld [smem:$0x3FAE]  }
0x29: {  	s4 =	sld [smem:$0x3FB0]  }
0x2a: {  	p0 =	seq.s32 s5, $0x0;
	s5 =	sld [smem:$0x3FB1]  }
0x2b: {  	s6 =	sld [smem:$0x3FB2]  }
0x2c: {  	s7 =	sld [smem:$0x3FB3]  }
0x2d: {  	s3 =	simm.s32 $0x108;
	s8 =	sld [smem:$0x3FB4]  }
0x2e: {  	s3 =	simm.s32 @!p0 $0x1082;
	s9 =	sld [smem:$0x3FB5]  }
0x2f: {  	lr =	sadd.s32 s0, s3;
	s0 =	sld [smem:$0x3FAC]  }
0x30: {  	s3 =	sld [smem:$0x3FAF]  }
0x31: {  	[smem:$0x3FB8] =	sst s10  }
0x32: {  	s10 =	sld [smem:$0x3FB6];
	_ =	sdelay $0x3  }
0x33: {  	p0 =	seq.s32 s10, $0x1;
	s10 =	sld [smem:$0x3FB8];
	_ =	sdelay $0x3  }
0x34: {  	[smem:$0x3FB8] =	sst s10  }
0x35: {  	s10 =	sld [smem:$0x3FB7];
	_ =	sdelay $0x3  }
0x36: {  	p1 =	seq.s32 s10, $0x1;
	s10 =	sld [smem:$0x3FB8];
	_ =	sdelay $0x3  }
0x37: {  	[smem:$0x3FB8] =	sst s10  }
0x38: {  	s10 =	sld [smem:$0x3FB9]  }
0x39: {  	_ = 	snop;
	(pc) =	sbr.ind lr, $3  }
0x3a: {  	_ = 	snop  }
0x3b: {  	_ = 	snop  }
0x3c: {  	p2 =	seq.s32 s10, $0x1;
	s10 =	sld [smem:$0x3FB8]  }
0x3d: {  	_ =	shalt  }
0x3e: {  	_ =	shalt  }
0x3f: {  	_ =	shalt  }
0x40: {  	_ =	shalt  }
0x41: {  	_ =	shalt  }
0x42: {  	_ =	shalt  }
0x43: {  	_ =	shalt  }
0x44: {  	_ =	shalt  }
0x45: {  	_ =	shalt  }
0x46: {  	_ =	shalt  }
0x47: {  	_ =	shalt  }
0x48: {  	_ =	shalt  }
0x49: {  	_ =	shalt  }
0x4a: {  	_ =	shalt  }
0x4b: {  	_ =	shalt  }
0x4c: {  	_ =	shalt  }
0x4d: {  	_ =	shalt  }
0x4e: {  	_ =	shalt  }
0x4f: {  	_ =	shalt  }
0x50: {  	_ =	shalt  }
0x51: {  	_ =	shalt  }
0x52: {  	_ =	shalt  }
0x53: {  	_ =	shalt  }
0x54: {  	_ =	shalt  }
0x55: {  	_ =	shalt  }
0x56: {  	_ =	shalt  }
0x57: {  	_ =	shalt  }
0x58: {  	_ =	shalt  }
0x59: {  	_ =	shalt  }
0x5a: {  	_ =	shalt  }
0x5b: {  	_ =	shalt  }
0x5c: {  	_ =	shalt  }
0x5d: {  	_ =	shalt  }
0x5e: {  	_ =	shalt  }
0x5f: {  	_ =	shalt  }
0x60: {  	_ =	shalt  }
0x61: {  	_ =	shalt  }
0x62: {  	_ =	shalt  }
0x63: {  	_ =	shalt  }
0x64: {  	_ =	shalt  }
0x65: {  	_ =	shalt  }
0x66: {  	_ =	shalt  }
0x67: {  	_ =	shalt  }
0x68: {  	_ =	shalt  }
0x69: {  	_ =	shalt  }
0x6a: {  	_ =	shalt  }
0x6b: {  	_ =	shalt  }
0x6c: {  	_ =	shalt  }
0x6d: {  	_ =	shalt  }
0x6e: {  	_ =	shalt  }
0x6f: {  	_ =	shalt  }
0x70: {  	_ =	shalt  }
0x71: {  	_ =	shalt  }
0x72: {  	_ =	shalt  }
0x73: {  	_ =	shalt  }
0x74: {  	_ =	shalt  }
0x75: {  	_ =	shalt  }
0x76: {  	_ =	shalt  }
0x77: {  	_ =	shalt  }
0x78: {  	_ =	shalt  }
0x79: {  	_ =	shalt  }
0x7a: {  	_ =	shalt  }
0x7b: {  	_ =	shalt  }
0x7c: {  	_ =	shalt  }
0x7d: {  	_ =	shalt  }
0x7e: {  	_ =	shalt  }
0x7f: {  	_ =	shalt  }
0x80: {  	_ =	shalt  }
0x81: {  	_ =	shalt  }
0x82: {  	_ =	shalt  }
0x83: {  	_ =	shalt  }
0x84: {  	_ =	shalt  }
0x85: {  	_ =	shalt  }
0x86: {  	_ =	shalt  }
0x87: {  	_ =	shalt  }
.Lfunc_end0:
.L_simem_size_0:
called_computation_lowered:
.L_overlay_start_0:
0x88: {  	s2 =	sld [smem:$0x3FD9]  }
0x89: {  	s3 =	sld [smem:$0x3FFE];
	_ =	sdelay $0x1  }
0x8a: {  	s1 =	srdreg.scid  }
0x8b: {  	s0 =	sand.u32 $0x1, s1  }
0x8c: {  	s17 =	sshll.u32 s0, $0xA;
	s2 =	sadd.s32 s3, s2  }
0x8d: {  	s2 =	sadd.s32 s2, s17  }
0x8e: {  	[smem:$0x3FC4] =	sst s2  }
0x8f: {  	_ = 	snop  }
0x90: {  	s2 =	sld [smem:$0x3FD0];
	(tm) =	ssettm $0x1  }
0x91: {  	s18 =	sld [smem:$0x3FFB];
	_ =	sdelay $0x3  }
0x92: {  	_ =	strace s18  }
0x93: {  	s3 =	sld [smem:$0x3FFC];
	_ =	sdelay $0x3  }
0x94: {  	_ =	strace s3  }
0x95: {  	s3 =	sld [smem:$0x3FFD];
	_ =	sdelay $0x3  }
0x96: {  	_ =	strace s3  }
0x97: {  	_ =	strace $0x8FFFFFFF  }
0x98: {  	s19 =	sld [smem:$0x3FDB];
	_ =	sdelay $0x1  }
0x99: {  	s4 =	simm.s32 $_scs_section_size  }
0x9a: {  	s5 =	simm.s32 $_size__tile_overlayer_lowered;
	s6 =	simm.s32 $_tile_overlayer_lowered  }
0x9b: {  	s22 =	simm.s32 $0x1BFF;
	s21 =	sshll.u32 s6, $0x1;
	s3 =	sadd.s32 s4, s19  }
0x9c: {  	s7 =	simm.s32 $0x0;
	s20 =	sshll.u32 s5, $0x1;
	s5 =	sadd.s32 s21, s3  }
0x9d: {  	[timem:s7], [sflag:s22] =	dma.local [hbm:s5], s20  }
0x9e: {  	_ =	swait.ge [sflag:s22], s20  }
0x9f: {  	s4 =	ssub.s32 $0x0, s20;
	[sflag:s22] =	ssyncset.done $0x0  }
0xa0: {  	[sflag:s22] =	ssyncadd.s32 s4;
	_ =	sdelay $0x1  }
0xa1: {  	s23 =	simm.s32 $0x1B8B  }
0xa2: {  	_ =	swait.ge [sflag:s23], $0x1  }
0xa3: {  	[sflag:s23] =	ssyncset.done $0x0  }
0xa4: {  	s25 =	simm.s32 $0x1B8E;
	s24 =	sld [smem:$0x3FFE];
	[sflag:s23] =	ssyncadd.s32 $0xFFFFFFFF  }
0xa5: {  	s26 =	simm.s32 $execute0_lowered;
	[smem:$0x3FD2] =	sst s25  }
0xa6: {  	s5 =	sshll.u32 s26, $0x1;
	_ =	strace $0x80000046;
	[dreg:$0x1] =	wrdreg $0xFFFFFFFF  }
0xa7: {  	s28 =	simm.s32 $_size_execute0_lowered;
	s3 =	sadd.s32 s3, s5;
	[dreg:$0x0] =	wrdreg $0x0  }
0xa8: {  	s5 =	sshll.u32 s28, $0x1;
	[dreg:$0x2] =	wrdreg s3  }
0xa9: {  	[dreg:$0x3] =	wrdreg s5  }
0xaa: {  	[dreg:$0x4] =	wrdreg $0xC0  }
0xab: {  	_ =	task [dreg:s7], $0x5FFFF  }
0xac: {  	[dreg:$0x1] =	wrdreg $0xFFFFFFFF  }
0xad: {  	[dreg:$0x0] =	wrdreg $0x60  }
0xae: {  	[dreg:$0x2] =	wrdreg s2  }
0xaf: {  	[dreg:$0x3] =	wrdreg s24  }
0xb0: {  	[dreg:$0x4] =	wrdreg $0x4000  }
0xb1: {  	[dreg:$0x5] =	wrdreg $0x9  }
0xb2: {  	_ =	task.clear_ibuf [dreg:s7], $0x6FFFF;
	_ =	strace $0x90000046  }
0xb3: {  	s29 =	simm.s32 $0x9;
	_ =	strace $0x80000048  }
0xb4: {  	_ =	swait.ge [sflag:s29], $0x1  }
0xb5: {  	[sflag:s29] =	ssyncadd.s32 $0xFFFFFFFF  }
0xb6: {  	_ =	strace $0x90000048  }
0xb7: {  	_ =	sfence  }
0xb8: {  	s30 =	sld [smem:$0x0];
	_ =	sdelay $0x2  }
0xb9: {  	s31 =	sshll.u32 s1, $0xD;
	s1 =	sshrl.u32 s1, $0x2  }
0xba: {  	s3 =	sand.u32 $0x4000, s31;
	s1 =	sadd.s32 s1, s30  }
0xbb: {  	s0 =	sor.u32 s3, s0;
	s1 =	sshll.u32 s1, $0x11  }
0xbc: {  	s0 =	sor.u32 s1, s0  }
0xbd: {  	s0 =	sadd.s32 $0x8F2B, s0  }
0xbe: {  	[sflag:s0] =	ssyncadd.remote.s32 $0x1  }
0xbf: {  	_ =	sfence.sel $0xFFFF  }
0xc0: {  	[dreg:$0x0] =	wrdreg $0xFFFFFFFF;
	(pc) =	sbr.abs _section_cstart, $3  }
0xc1: {  	[dreg:$0x1] =	wrdreg $0xFFFFFFFF  }
0xc2: {  	_ =	task.clear_ibuf [dreg:s7], $0x2FFFF;
	_ =	strace $0x9FFFFFFF  }
0xc3: {  	(tm) =	ssettm $0x7FFFFFFF  }
tec
execute0_lowered:
.L_overlay_start_1:
0x0: {  	(tag) =	ssettag $0x1  }
0x1: {  	s1 =	rddreg [dreg:$0x0]  }
0x2: {  	s5 =	rddreg [dreg:$0x1]  }
0x3: {  	s2 =	srdreg.scid;
	s0 =	stileid.u32  }
0x4: {  	s3 =	rddreg [dreg:$0x2];
	s4 =	simm.s32 $0x0;
	s12 =	simm.s32 $0x3  }
0x5: {  	s13 =	simm.s32 $0x1;
	s14 =	simm.s32 $0x80;
	s15 =	simm.s32 $0x100  }
0x6: {  	s16 =	simm.s32 $0x2;
	s19 =	simm.s32 $0x0;
	s6 =	sand.u32 $0x1, s2  }
0x7: {  	s7 =	smul.u32 $0x280, s0;
	s28 =	sshll.u32 s0, $0x1;
	s2 =	rddreg [dreg:$0x3]  }
0x8: {  	[smem:$0x7FF] =	sst s4;
	s10 =	smul.u32 $0x4F00, s0;
	s17 =	sshll.u32 s0, $0x6  }
0x9: {  	s8 =	smul.u32 $0x2800, s6;
	s9 =	sor.u32 s6, s28;
	s11 =	ssub.s32 $0x2, s6  }
0xa: {  	s6 =	smul.u32 $0x2780, s6;
	_ =	strace $0x80000047;
	s17 =	sor.u32 $0x1C03, s17  }
0xb: {  	s9 =	smul.u32 $0x2780, s9;
	s29 =	sshrl.u32 s11, $0x1;
	s8 =	sadd.s32 s7, s8  }
0xc: {  	s11 =	ssub.s32 s11, s29;
	s10 =	sadd.s32 s6, s10;
	s8 =	sshrl.u32 s8, $0x3  }
0xd: {  	s9 =	sshrl.u32 s9, $0x3;
	s30 =	sadd.s32 $0x80, s10;
	s8 =	sadd.s32 s8, s5  }
0xe: {  	s5 =	sadd.s32 s7, s3;
	s6 =	sadd.s32 s1, s9;
	s31 =	sshrl.u32 s30, $0x3  }
0xf: {  	s9 =	sadd.s32 $0x100, s10;
	s7 =	sadd.s32 $0x1800, s8;
	s8 =	smax.u32 s11, $0x1  }
0x10: {  	v0 =	vimm.f32 $1.000000000e+00;
	v1 =	vimm.f32 $0.0e+00;
	s10 =	sadd.s32 s31, s1;
	s11 =	simm.s32 $0x180;
	s18 =	sshrl.u32 s5, $0x3  }
.LBB2_1:
0x11: {  	[tilespmem:$0x100] =	vst v0  }
0x12: {  	[tilespmem:$0x110] =	vst v0  }
0x13: {  	[tilespmem:$0x120] =	vst v0  }
0x14: {  	[tilespmem:$0x130] =	vst v0  }
0x15: {  	[tilespmem:$0x140] =	vst v0  }
0x16: {  	[tilespmem:$0x150] =	vst v0  }
0x17: {  	[tilespmem:$0x160] =	vst v0  }
0x18: {  	[tilespmem:$0x170] =	vst v0  }
0x19: {  	[tilespmem:$0x180] =	vst v1  }
0x1a: {  	[tilespmem:$0x190] =	vst v1  }
0x1b: {  	[tilespmem:$0x1A0] =	vst v1  }
0x1c: {  	[tilespmem:$0x1B0] =	vst v1  }
0x1d: {  	[tilespmem:$0x1C0] =	vst v1  }
0x1e: {  	[tilespmem:$0x1D0] =	vst v1  }
0x1f: {  	[tilespmem:$0x1E0] =	vst v1  }
0x20: {  	[tilespmem:$0x1F0] =	vst v1  }
0x21: {  	[tilespmem:$0x200] =	vst v1  }
0x22: {  	[tilespmem:$0x210] =	vst v1  }
0x23: {  	[tilespmem:$0x220] =	vst v1  }
0x24: {  	[tilespmem:$0x230] =	vst v1  }
0x25: {  	[tilespmem:$0x240] =	vst v1  }
0x26: {  	[tilespmem:$0x250] =	vst v1  }
0x27: {  	[tilespmem:$0x260] =	vst v1  }
0x28: {  	[tilespmem:$0x270] =	vst v1  }
0x29: {  	[tilespmem:$0x280] =	vst v1  }
0x2a: {  	[tilespmem:$0x290] =	vst v1  }
0x2b: {  	[tilespmem:$0x2A0] =	vst v1  }
0x2c: {  	[tilespmem:$0x2B0] =	vst v1  }
0x2d: {  	[tilespmem:$0x2C0] =	vst v1  }
0x2e: {  	[tilespmem:$0x2D0] =	vst v1  }
0x2f: {  	[tilespmem:$0x2E0] =	vst v1  }
0x30: {  	[tilespmem:$0x2F0] =	vst v1  }
0x31: {  	[tilespmem:$0x300] =	vst v1  }
0x32: {  	[tilespmem:$0x310] =	vst v1  }
0x33: {  	[tilespmem:$0x320] =	vst v1  }
0x34: {  	[tilespmem:$0x330] =	vst v1  }
0x35: {  	[tilespmem:$0x340] =	vst v1  }
0x36: {  	[tilespmem:$0x350] =	vst v1  }
0x37: {  	[tilespmem:$0x360] =	vst v1  }
0x38: {  	[tilespmem:$0x370] =	vst v1  }
0x39: {  	[tilespmem:$0x380] =	vst v1  }
0x3a: {  	[tilespmem:$0x390] =	vst v1  }
0x3b: {  	[tilespmem:$0x3A0] =	vst v1  }
0x3c: {  	[tilespmem:$0x3B0] =	vst v1  }
0x3d: {  	[tilespmem:$0x3C0] =	vst v1  }
0x3e: {  	[tilespmem:$0x3D0] =	vst v1  }
0x3f: {  	[tilespmem:$0x3E0] =	vst v1  }
0x40: {  	[tilespmem:$0x3F0] =	vst v1  }
0x41: {  	[spmem:s5] =	stream.linear.scatter [tilespmem:s11], [sflag:$0x3], $0x280, $0x38;
	[tilespmem:$0x680] =	vst v63  }
0x42: {  	_ =	swait.ge [sflag:s12], $0x280  }
0x43: {  	[sflag:s12] =	ssyncset.done $0x0  }
0x44: {  	[sflag:s12] =	ssyncadd.s32 $0xFFFFFD80  }
0x45: {  	[bflag:$0x0] =	sbarrier.arrive $0xFFFF  }
0x46: {  	[tilespmem:s4], [sflag:$0x1] =	stream.linear.gather [hbm4b:s6+s4], $0x80, $0x38;
	[tilespmem:$0x680] =	vst v63  }
0x47: {  	_ =	swait.ge [sflag:s13], $0x80  }
0x48: {  	[sflag:s13] =	ssyncset.done $0x0  }
0x49: {  	s20 =	sadd.s32 $0x0, s10;
	[sflag:s13] =	ssyncadd.s32 $0xFFFFFF80  }
0x4a: {  	[tilespmem:s14], [sflag:$0x2] =	stream.linear.gather [hbm4b:s20+s4], $0x80, $0x38;
	[tilespmem:$0x680] =	vst v63  }
0x4b: {  	_ = 	snop  }
0x4c: {  	[spmem:s3] =	stream.indirect.scatter.add.f32 [tilespmem:s15], [sflag:$0x3], $0x1, s4, s14, $0xb8;
	[tilespmem:$0x680] =	vst v63  }
0x4d: {  	_ =	swait.ge [sflag:s12], $0x80  }
0x4e: {  	[sflag:s12] =	ssyncset.done $0x0  }
0x4f: {  	[sflag:s12] =	ssyncadd.s32 $0xFFFFFF80  }
0x50: {  	_ =	swait.ge [sflag:s16], $0x80  }
0x51: {  	s31 =	sshrl.u32 s9, $0x3;
	[sflag:s16] =	ssyncset.done $0x0  }
0x52: {  	s20 =	sadd.s32 s1, s31;
	[sflag:s16] =	ssyncadd.s32 $0xFFFFFF80  }
0x53: {  	[tilespmem:s4], [sflag:$0x1] =	stream.linear.gather [hbm4b:s20+s4], $0x80, $0x38;
	[tilespmem:$0x680] =	vst v63  }
0x54: {  	_ = 	snop  }
0x55: {  	[spmem:s3] =	stream.indirect.scatter.add.f32 [tilespmem:s15], [sflag:$0x3], $0x1, s14, s14, $0xb8;
	[tilespmem:$0x680] =	vst v63  }
0x56: {  	_ =	swait.ge [sflag:s12], $0x80  }
0x57: {  	s21 =	smov.u32 s9;
	s20 =	simm.s32 $0x20;
	[sflag:s12] =	ssyncset.done $0x0  }
.LBB2_2:
0x58: {  	p0 =	sne.s32 s20, $0x4C0;
	[sflag:s12] =	ssyncadd.s32 $0xFFFFFF80;
	s21 =	sadd.s32 $0x100, s21  }
0x59: {  	s22 =	smov.u32 s20;
	s20 =	sadd.s32 $0x20, s20  }
0x5a: {  	_ =	swait.ge [sflag:s13], $0x80  }
0x5b: {  	[sflag:s13] =	ssyncset.done $0x0  }
0x5c: {  	s22 =	sadd.s32 s22, s10;
	[sflag:s13] =	ssyncadd.s32 $0xFFFFFF80  }
0x5d: {  	[tilespmem:s14], [sflag:$0x2] =	stream.linear.gather [hbm4b:s22+s4], $0x80, $0x38;
	[tilespmem:$0x680] =	vst v63  }
0x5e: {  	_ = 	snop  }
0x5f: {  	[spmem:s3] =	stream.indirect.scatter.add.f32 [tilespmem:s15], [sflag:$0x3], $0x1, s4, s14, $0xb8;
	[tilespmem:$0x680] =	vst v63  }
0x60: {  	_ =	swait.ge [sflag:s12], $0x80  }
0x61: {  	[sflag:s12] =	ssyncset.done $0x0  }
0x62: {  	[sflag:s12] =	ssyncadd.s32 $0xFFFFFF80  }
0x63: {  	_ =	swait.ge [sflag:s16], $0x80  }
0x64: {  	s22 =	sshrl.u32 s21, $0x3;
	[sflag:s16] =	ssyncset.done $0x0  }
0x65: {  	s22 =	sadd.s32 s1, s22;
	[sflag:s16] =	ssyncadd.s32 $0xFFFFFF80  }
0x66: {  	[tilespmem:s4], [sflag:$0x1] =	stream.linear.gather [hbm4b:s22+s4], $0x80, $0x38;
	[tilespmem:$0x680] =	vst v63  }
.Ltmp0:
0x67: {  	_ = 	snop;
	(pc) =	sbr.rel @p0 .LBB2_2-.Ltmp0, $4  }
0x68: {  	_ = 	snop  }
0x69: {  	[spmem:s3] =	stream.indirect.scatter.add.f32 [tilespmem:s15], [sflag:$0x3], $0x1, s14, s14, $0xb8;
	[tilespmem:$0x680] =	vst v63  }
0x6a: {  	_ =	swait.ge [sflag:s12], $0x80  }
0x6b: {  	[sflag:s12] =	ssyncset.done $0x0  }
0x6c: {  	[sflag:s12] =	ssyncadd.s32 $0xFFFFFF80  }
0x6d: {  	_ =	swait.ge [sflag:s13], $0x80  }
0x6e: {  	[sflag:s13] =	ssyncset.done $0x0  }
0x6f: {  	[sflag:s13] =	ssyncadd.s32 $0xFFFFFF80  }
0x70: {  	[spmem:s3] =	stream.indirect.scatter.add.f32 [tilespmem:s15], [sflag:$0x3], $0x1, s4, s14, $0xb8;
	[tilespmem:$0x680] =	vst v63  }
0x71: {  	_ =	swait.ge [sflag:s12], $0x80  }
0x72: {  	s19 =	sadd.s32 $0x1, s19;
	[sflag:s12] =	ssyncset.done $0x0  }
0x73: {  	p0 =	sne.s32 s19, s8;
	[sflag:s12] =	ssyncadd.s32 $0xFFFFFF80  }
.Ltmp1:
0x74: {  	[bflag:$0x0] =	sbarrier.arrive $0xFFFF;
	(pc) =	sbr.rel @p0 .LBB2_1-.Ltmp1, $4  }
0x75: {  	[hbm:s7], [sflag:s17] =	dma.local [spmem:s18], $0x50  }
0x76: {  	_ =	swait.ge [sflag:s12], $0x50  }
0x77: {  	[sflag:s12] =	ssyncset.done $0x0  }
0x78: {  	[sflag:s12] =	ssyncadd.s32 $0xFFFFFFB0  }
0x79: {  	_ =	sfence.sel $0x180000  }
0x7a: {  	[bflag:$0x0] =	sbarrier.arrive $0xFFFF  }
0x7b: {  	p0 =	sne.s32 s0, $0x0;
	_ =	strace $0x90000047  }
0x7c: {  	s0 =	sadd.s32 @!p0 $0x100000, s2;
	[bflag:$0x2] =	sbarrier.arrive $0xFFFF  }
0x7d: {  	[sflag:s0] =	ssyncadd.tile.s32 @!p0 $0x1;
	_ =	shalt  }
.Lfunc_end2:
_tile_overlayer_lowered:
.L_overlay_start_2:
0x7e: {  	(tag) =	ssettag $0x2  }
0x7f: {  	s0 =	rddreg [dreg:$0x0];
	s2 =	stileid.u32  }
0x80: {  	s1 =	rddreg [dreg:$0x1];
	p0 =	sne.s32 s2, $0x0  }
0x81: {  	s3 =	rddreg [dreg:$0x2];
	[bflag:$0x3] =	sbarrier.arrive $0xFFFF;
	s2 =	simm.s32 @!p0 $0x1C03  }
0x82: {  	[timem:s3], [sflag:s2] =	dma.local @!p0 [hbm:s0], s1  }
0x83: {  	s0 =	simm.s32 @!p0 $0x3  }
0x84: {  	_ =	swait.ge @!p0 [sflag:s0], s1  }
0x85: {  	s1 =	ssub.s32 @!p0 $0x0, s1;
	[sflag:s0] =	ssyncset.done @!p0 $0x0  }
0x86: {  	[sflag:s0] =	ssyncadd.s32 @!p0 s1  }
0x87: {  	[bflag:$0x3] =	sbarrier.arrive $0xFFFF  }
0x88: {  	_ =	shalt  }

// kernel: kernel.9.cloned.1.call-start
scs
__scs_entry_jumppad:
0x0: {  	(pc) =	sbr.rel $0x88, $3  }
0x1: {  	(tag) =	ssettag $0x0;
	lr =	simm.s32 $0x1  }
0x2: {  	[smem:$0x3F9D] =	sst lr;
	_ =	strace $0xD0000000  }
0x3: {  	_ = 	snop  }
0x4: {  	_ = 	snop  }
0x5: {  	_ = 	snop  }
0x6: {  	_ = 	snop  }
0x7: {  	_ = 	snop  }
__scs_overlays_trampoline_lowered:
0x8: {  	[smem:$0x3FAC] =	sst s0  }
0x9: {  	[smem:$0x3FAD] =	sst s1  }
0xa: {  	[smem:$0x3FAE] =	sst s2  }
0xb: {  	[smem:$0x3FAF] =	sst s3  }
0xc: {  	[smem:$0x3FB0] =	sst s4  }
0xd: {  	[smem:$0x3FB1] =	sst s5  }
0xe: {  	[smem:$0x3FB2] =	sst s6  }
0xf: {  	[smem:$0x3FB3] =	sst s7  }
0x10: {  	[smem:$0x3FB4] =	sst s8  }
0x11: {  	[smem:$0x3FB5] =	sst s9;
	s0 =	simm.s32 @!p0 $0x0  }
0x12: {  	s1 =	sld [smem:$0x3F9B];
	s0 =	simm.s32 @p0 $0x1  }
0x13: {  	[smem:$0x3FB6] =	sst s0;
	s0 =	simm.s32 @!p1 $0x0  }
0x14: {  	s2 =	sld [smem:$0x3F9A];
	s0 =	simm.s32 @p1 $0x1  }
0x15: {  	[smem:$0x3FB7] =	sst s0;
	s0 =	simm.s32 @!p2 $0x0  }
0x16: {  	s3 =	sld [smem:$0x3FDB];
	s0 =	simm.s32 @p2 $0x1  }
0x17: {  	s4 =	simm.s32 $0x1BF5;
	[smem:$0x3FB9] =	sst s0  }
0x18: {  	s0 =	sld [smem:$0x3F9C];
	_ =	swait.ge [sflag:s4], $0x0  }
0x19: {  	s7 =	sld [smem:$0x3F9D]  }
0x1a: {  	s8 =	sadd.s32 $0xFFFFE003, lr  }
0x1b: {  	s9 =	sadd.s32 $0xFFFFFEF7, lr;
	s5 =	simm.s32 $0xFFFFFFFF;
	p2 =	slt.u32 s8, $0xFFFFF086  }
0x1c: {  	p1 =	slt.u32 s9, $0xF7A;
	s5 =	simm.s32 @!p2 $0x0  }
0x1d: {  	s5 =	simm.s32 @p1 $0x1;
	p0 =	seq.s32 s7, s2  }
0x1e: {  	s7 =	smul.u32 @!p0 $0xF7A, s2;
	p2 =	seq.s32 @!p0 s5, $0x0  }
0x1f: {  	s9 =	smul.u32 $0xF7A, s1;
	s8 =	simm.s32 @!p0 $0x1BF5;
	p2 =	por !p2, p0  }
0x20: {  	[sflag:s8] =	ssyncset.s32 @!p0 $0xFFFFF086;
	s6 =	sadd.s32 @!p0 s3, s7;
	s7 =	simm.s32 @!p0 $0x108  }
0x21: {  	s3 =	sadd.s32 s3, s9;
	s6 =	sadd.s32 @!p0 $0x88, s6;
	s7 =	simm.s32 @p2 $0x1082  }
0x22: {  	[simem:s7], [sflag:s8] =	dma.local @!p0 [hbm:s6], $0xF7A  }
0x23: {  	s9 =	sor.u32 $0xD0000000, s2;
	s6 =	simm.s32 $0x108;
	_ =	swait.ge @!p0 [sflag:s8], $0x0  }
0x24: {  	s3 =	sadd.s32 $0x88, s3;
	s6 =	simm.s32 @!p1 $0x1082;
	[sflag:s4] =	ssyncset.s32 $0xFFFFF086  }
0x25: {  	[simem:s6], [sflag:s4] =	dma.local [hbm:s3], $0xF7A  }
0x26: {  	[smem:$0x3F9D] =	sst s1;
	(tag) =	ssettag s2;
	_ =	strace s9  }
0x27: {  	s1 =	sld [smem:$0x3FAD]  }
0x28: {  	s2 =	sld [smem:$0x3FAE]  }
0x29: {  	s4 =	sld [smem:$0x3FB0]  }
0x2a: {  	p0 =	seq.s32 s5, $0x0;
	s5 =	sld [smem:$0x3FB1]  }
0x2b: {  	s6 =	sld [smem:$0x3FB2]  }
0x2c: {  	s7 =	sld [smem:$0x3FB3]  }
0x2d: {  	s3 =	simm.s32 $0x108;
	s8 =	sld [smem:$0x3FB4]  }
0x2e: {  	s3 =	simm.s32 @!p0 $0x1082;
	s9 =	sld [smem:$0x3FB5]  }
0x2f: {  	lr =	sadd.s32 s0, s3;
	s0 =	sld [smem:$0x3FAC]  }
0x30: {  	s3 =	sld [smem:$0x3FAF]  }
0x31: {  	[smem:$0x3FB8] =	sst s10  }
0x32: {  	s10 =	sld [smem:$0x3FB6];
	_ =	sdelay $0x3  }
0x33: {  	p0 =	seq.s32 s10, $0x1;
	s10 =	sld [smem:$0x3FB8];
	_ =	sdelay $0x3  }
0x34: {  	[smem:$0x3FB8] =	sst s10  }
0x35: {  	s10 =	sld [smem:$0x3FB7];
	_ =	sdelay $0x3  }
0x36: {  	p1 =	seq.s32 s10, $0x1;
	s10 =	sld [smem:$0x3FB8];
	_ =	sdelay $0x3  }
0x37: {  	[smem:$0x3FB8] =	sst s10  }
0x38: {  	s10 =	sld [smem:$0x3FB9]  }
0x39: {  	_ = 	snop;
	(pc) =	sbr.ind lr, $3  }
0x3a: {  	_ = 	snop  }
0x3b: {  	_ = 	snop  }
0x3c: {  	p2 =	seq.s32 s10, $0x1;
	s10 =	sld [smem:$0x3FB8]  }
0x3d: {  	_ =	shalt  }
0x3e: {  	_ =	shalt  }
0x3f: {  	_ =	shalt  }
0x40: {  	_ =	shalt  }
0x41: {  	_ =	shalt  }
0x42: {  	_ =	shalt  }
0x43: {  	_ =	shalt  }
0x44: {  	_ =	shalt  }
0x45: {  	_ =	shalt  }
0x46: {  	_ =	shalt  }
0x47: {  	_ =	shalt  }
0x48: {  	_ =	shalt  }
0x49: {  	_ =	shalt  }
0x4a: {  	_ =	shalt  }
0x4b: {  	_ =	shalt  }
0x4c: {  	_ =	shalt  }
0x4d: {  	_ =	shalt  }
0x4e: {  	_ =	shalt  }
0x4f: {  	_ =	shalt  }
0x50: {  	_ =	shalt  }
0x51: {  	_ =	shalt  }
0x52: {  	_ =	shalt  }
0x53: {  	_ =	shalt  }
0x54: {  	_ =	shalt  }
0x55: {  	_ =	shalt  }
0x56: {  	_ =	shalt  }
0x57: {  	_ =	shalt  }
0x58: {  	_ =	shalt  }
0x59: {  	_ =	shalt  }
0x5a: {  	_ =	shalt  }
0x5b: {  	_ =	shalt  }
0x5c: {  	_ =	shalt  }
0x5d: {  	_ =	shalt  }
0x5e: {  	_ =	shalt  }
0x5f: {  	_ =	shalt  }
0x60: {  	_ =	shalt  }
0x61: {  	_ =	shalt  }
0x62: {  	_ =	shalt  }
0x63: {  	_ =	shalt  }
0x64: {  	_ =	shalt  }
0x65: {  	_ =	shalt  }
0x66: {  	_ =	shalt  }
0x67: {  	_ =	shalt  }
0x68: {  	_ =	shalt  }
0x69: {  	_ =	shalt  }
0x6a: {  	_ =	shalt  }
0x6b: {  	_ =	shalt  }
0x6c: {  	_ =	shalt  }
0x6d: {  	_ =	shalt  }
0x6e: {  	_ =	shalt  }
0x6f: {  	_ =	shalt  }
0x70: {  	_ =	shalt  }
0x71: {  	_ =	shalt  }
0x72: {  	_ =	shalt  }
0x73: {  	_ =	shalt  }
0x74: {  	_ =	shalt  }
0x75: {  	_ =	shalt  }
0x76: {  	_ =	shalt  }
0x77: {  	_ =	shalt  }
0x78: {  	_ =	shalt  }
0x79: {  	_ =	shalt  }
0x7a: {  	_ =	shalt  }
0x7b: {  	_ =	shalt  }
0x7c: {  	_ =	shalt  }
0x7d: {  	_ =	shalt  }
0x7e: {  	_ =	shalt  }
0x7f: {  	_ =	shalt  }
0x80: {  	_ =	shalt  }
0x81: {  	_ =	shalt  }
0x82: {  	_ =	shalt  }
0x83: {  	_ =	shalt  }
0x84: {  	_ =	shalt  }
0x85: {  	_ =	shalt  }
0x86: {  	_ =	shalt  }
0x87: {  	_ =	shalt  }
.Lfunc_end0:
.L_simem_size_0:
called_computation.1_lowered:
.L_overlay_start_0:
0x88: {  	s2 =	sld [smem:$0x3FD9]  }
0x89: {  	s3 =	sld [smem:$0x3FFE];
	_ =	sdelay $0x1  }
0x8a: {  	s1 =	srdreg.scid  }
0x8b: {  	s0 =	sand.u32 $0x1, s1  }
0x8c: {  	s17 =	sshll.u32 s0, $0xA;
	s2 =	sadd.s32 s3, s2  }
0x8d: {  	s2 =	sadd.s32 s2, s17  }
0x8e: {  	[smem:$0x3FC4] =	sst s2  }
0x8f: {  	_ = 	snop  }
0x90: {  	s2 =	sld [smem:$0x3FD0];
	(tm) =	ssettm $0x1  }
0x91: {  	s18 =	sld [smem:$0x3FFB];
	_ =	sdelay $0x3  }
0x92: {  	_ =	strace s18  }
0x93: {  	s3 =	sld [smem:$0x3FFC];
	_ =	sdelay $0x3  }
0x94: {  	_ =	strace s3  }
0x95: {  	s3 =	sld [smem:$0x3FFD];
	_ =	sdelay $0x3  }
0x96: {  	_ =	strace s3  }
0x97: {  	_ =	strace $0x8FFFFFFF  }
0x98: {  	s19 =	sld [smem:$0x3FDB];
	_ =	sdelay $0x1  }
0x99: {  	s4 =	simm.s32 $_scs_section_size  }
0x9a: {  	s5 =	simm.s32 $_size__tile_overlayer_lowered;
	s6 =	simm.s32 $_tile_overlayer_lowered  }
0x9b: {  	s22 =	simm.s32 $0x1BFF;
	s21 =	sshll.u32 s6, $0x1;
	s3 =	sadd.s32 s4, s19  }
0x9c: {  	s7 =	simm.s32 $0x0;
	s20 =	sshll.u32 s5, $0x1;
	s5 =	sadd.s32 s21, s3  }
0x9d: {  	[timem:s7], [sflag:s22] =	dma.local [hbm:s5], s20  }
0x9e: {  	_ =	swait.ge [sflag:s22], s20  }
0x9f: {  	s4 =	ssub.s32 $0x0, s20;
	[sflag:s22] =	ssyncset.done $0x0  }
0xa0: {  	[sflag:s22] =	ssyncadd.s32 s4;
	_ =	sdelay $0x1  }
0xa1: {  	s23 =	simm.s32 $0x1B8B  }
0xa2: {  	_ =	swait.ge [sflag:s23], $0x1  }
0xa3: {  	[sflag:s23] =	ssyncset.done $0x0  }
0xa4: {  	s25 =	simm.s32 $0x1B8E;
	s24 =	sld [smem:$0x3FFE];
	[sflag:s23] =	ssyncadd.s32 $0xFFFFFFFF  }
0xa5: {  	s26 =	simm.s32 $execute0_lowered;
	[smem:$0x3FD2] =	sst s25  }
0xa6: {  	s5 =	sshll.u32 s26, $0x1;
	_ =	strace $0x80000049;
	[dreg:$0x1] =	wrdreg $0xFFFFFFFF  }
0xa7: {  	s28 =	simm.s32 $_size_execute0_lowered;
	s3 =	sadd.s32 s3, s5;
	[dreg:$0x0] =	wrdreg $0x0  }
0xa8: {  	s5 =	sshll.u32 s28, $0x1;
	[dreg:$0x2] =	wrdreg s3  }
0xa9: {  	[dreg:$0x3] =	wrdreg s5  }
0xaa: {  	[dreg:$0x4] =	wrdreg $0xC0  }
0xab: {  	_ =	task [dreg:s7], $0x5FFFF  }
0xac: {  	[dreg:$0x1] =	wrdreg $0xFFFFFFFF  }
0xad: {  	[dreg:$0x0] =	wrdreg $0x60  }
0xae: {  	[dreg:$0x2] =	wrdreg s24  }
0xaf: {  	[dreg:$0x3] =	wrdreg s2  }
0xb0: {  	[dreg:$0x4] =	wrdreg $0x41000  }
0xb1: {  	[dreg:$0x5] =	wrdreg $0x9  }
0xb2: {  	_ =	task.clear_ibuf [dreg:s7], $0x6FFFF;
	_ =	strace $0x90000049  }
0xb3: {  	s29 =	simm.s32 $0x9;
	_ =	strace $0x8000004B  }
0xb4: {  	_ =	swait.ge [sflag:s29], $0x1  }
0xb5: {  	[sflag:s29] =	ssyncadd.s32 $0xFFFFFFFF  }
0xb6: {  	_ =	strace $0x9000004B  }
0xb7: {  	_ =	sfence  }
0xb8: {  	s30 =	sld [smem:$0x0];
	_ =	sdelay $0x2  }
0xb9: {  	s31 =	sshll.u32 s1, $0xD;
	s1 =	sshrl.u32 s1, $0x2  }
0xba: {  	s3 =	sand.u32 $0x4000, s31;
	s1 =	sadd.s32 s1, s30  }
0xbb: {  	s0 =	sor.u32 s3, s0;
	s1 =	sshll.u32 s1, $0x11  }
0xbc: {  	s0 =	sor.u32 s1, s0  }
0xbd: {  	s0 =	sadd.s32 $0x8F2B, s0  }
0xbe: {  	[sflag:s0] =	ssyncadd.remote.s32 $0x1  }
0xbf: {  	_ =	sfence.sel $0xFFFF  }
0xc0: {  	[dreg:$0x0] =	wrdreg $0xFFFFFFFF;
	(pc) =	sbr.abs _section_cstart, $3  }
0xc1: {  	[dreg:$0x1] =	wrdreg $0xFFFFFFFF  }
0xc2: {  	_ =	task.clear_ibuf [dreg:s7], $0x2FFFF;
	_ =	strace $0x9FFFFFFF  }
0xc3: {  	(tm) =	ssettm $0x7FFFFFFF  }
tec
execute0_lowered:
.L_overlay_start_1:
0x0: {  	(tag) =	ssettag $0x1  }
0x1: {  	s6 =	rddreg [dreg:$0x0]  }
0x2: {  	s8 =	rddreg [dreg:$0x1];
	s0 =	stileid.u32  }
0x3: {  	s1 =	srdreg.scid;
	s2 =	rddreg [dreg:$0x2]  }
0x4: {  	s3 =	simm.s32 $0x0;
	s19 =	simm.s32 $0x100;
	s20 =	simm.s32 $0x1  }
0x5: {  	s21 =	simm.s32 $0x2;
	s22 =	simm.s32 $0x0;
	s9 =	smul.u32 $0x9E0, s0  }
0x6: {  	s7 =	sand.u32 $0x1, s1;
	s1 =	rddreg [dreg:$0x3];
	s10 =	smul.u32 $0x14000, s0  }
0x7: {  	[smem:$0x7FF] =	sst s3;
	s4 =	sadd.s32 $0xC000, s6;
	s12 =	smul.u32 $0x50000, s0  }
0x8: {  	s29 =	sshll.u32 s0, $0x6;
	s5 =	smul.u32 $0x140000, s7;
	_ =	strace $0x8000004A  }
0x9: {  	s13 =	ssub.s32 $0x2, s7;
	s15 =	smul.u32 $0x4F0, s7;
	s11 =	sadd.s32 s9, s6  }
0xa: {  	s28 =	sshrl.u32 s13, $0x1;
	s12 =	sshrl.u32 s12, $0x2;
	s31 =	sadd.s32 s9, s8  }
0xb: {  	s10 =	sadd.s32 s10, s5;
	s5 =	sadd.s32 $0x1800, s6;
	s13 =	ssub.s32 s13, s28  }
0xc: {  	s12 =	sadd.s32 s12, s2;
	s30 =	sadd.s32 s15, s11;
	s10 =	sshrl.u32 s10, $0x3  }
0xd: {  	s14 =	sadd.s32 $0x4000, s12;
	s16 =	sadd.s32 $0x8000, s12;
	s17 =	sadd.s32 $0xC000, s12  }
0xe: {  	s18 =	sadd.s32 $0x10000, s12;
	s8 =	smax.u32 s13, $0x1;
	s9 =	sadd.s32 $0x2200, s30  }
0xf: {  	s11 =	sshrl.u32 s12, $0x3;
	s12 =	simm.s32 $0x4;
	s10 =	sadd.s32 s10, s6  }
0x10: {  	s6 =	sor.u32 $0x1C04, s29;
	s13 =	sshrl.u32 s14, $0x3;
	s14 =	sshrl.u32 s16, $0x3  }
0x11: {  	s16 =	sshrl.u32 s18, $0x3;
	s18 =	simm.s32 $0x3;
	s7 =	sadd.s32 $0x34000, s10  }
0x12: {  	s10 =	sadd.s32 s15, s31;
	s15 =	sshrl.u32 s17, $0x3;
	s17 =	simm.s32 $0x80  }
.LBB2_1:
0x13: {  	[spmem:s11], [sflag:s6] =	dma.local [hbm:s5], $0x800  }
0x14: {  	_ =	swait.ge [sflag:s12], $0x800  }
0x15: {  	[sflag:s12] =	ssyncset.done $0x0  }
0x16: {  	[sflag:s12] =	ssyncadd.s32 $0xFFFFF800  }
0x17: {  	[spmem:s13], [sflag:s6] =	dma.local [hbm:s5], $0x800  }
0x18: {  	_ =	swait.ge [sflag:s12], $0x800  }
0x19: {  	[sflag:s12] =	ssyncset.done $0x0  }
0x1a: {  	[sflag:s12] =	ssyncadd.s32 $0xFFFFF800  }
0x1b: {  	[spmem:s14], [sflag:s6] =	dma.local [hbm:s5], $0x800  }
0x1c: {  	_ =	swait.ge [sflag:s12], $0x800  }
0x1d: {  	[sflag:s12] =	ssyncset.done $0x0  }
0x1e: {  	[sflag:s12] =	ssyncadd.s32 $0xFFFFF800  }
0x1f: {  	[spmem:s15], [sflag:s6] =	dma.local [hbm:s5], $0x800  }
0x20: {  	_ =	swait.ge [sflag:s12], $0x800  }
0x21: {  	[sflag:s12] =	ssyncset.done $0x0  }
0x22: {  	[sflag:s12] =	ssyncadd.s32 $0xFFFFF800  }
0x23: {  	[spmem:s16], [sflag:s6] =	dma.local [hbm:s5], $0x800  }
0x24: {  	_ =	swait.ge [sflag:s12], $0x800  }
0x25: {  	[sflag:s12] =	ssyncset.done $0x0  }
0x26: {  	[sflag:s12] =	ssyncadd.s32 $0xFFFFF800  }
0x27: {  	s23 =	sadd.s32 $0x0, s10;
	[bflag:$0x0] =	sbarrier.arrive $0xFFFF  }
0x28: {  	[tilespmem:s3], [sflag:$0x2] =	stream.linear.gather [hbm4b:s23+s3], $0x80, $0x38;
	[tilespmem:$0x18100] =	vst v63  }
0x29: {  	s31 =	sadd.s32 $0x0, s9  }
0x2a: {  	[tilespmem:s17], [sflag:$0x3] =	stream.linear.gather [hbm4b:s31+s3], $0x80, $0x38;
	[tilespmem:$0x18100] =	vst v63  }
0x2b: {  	_ =	swait.ge [sflag:s18], $0x80  }
0x2c: {  	[sflag:s18] =	ssyncset.done $0x0  }
0x2d: {  	[sflag:s18] =	ssyncadd.s32 $0xFFFFFF80  }
0x2e: {  	[tilespmem:s19], [sflag:$0x1] =	stream.indirect.gather [hbm4b:s4+s17], $0x80, s17, s17, $0xb8;
	[tilespmem:$0x18100] =	vst v63  }
0x2f: {  	_ =	swait.ge [sflag:s20], $0x4000  }
0x30: {  	[sflag:s20] =	ssyncset.done $0x0  }
0x31: {  	[sflag:s20] =	ssyncadd.s32 $0xFFFFC000  }
0x32: {  	_ =	swait.ge [sflag:s21], $0x80  }
0x33: {  	[sflag:s21] =	ssyncset.done $0x0  }
0x34: {  	[sflag:s21] =	ssyncadd.s32 $0xFFFFFF80  }
0x35: {  	[spmem:s2] =	stream.indirect.scatter.add.f32 [tilespmem:s19], [sflag:$0x4], $0x80, s3, s17, $0xb8;
	[tilespmem:$0x18100] =	vst v63  }
0x36: {  	_ =	swait.ge [sflag:s12], $0x4000  }
0x37: {  	s24 =	simm.s32 $0x20;
	s23 =	simm.s32 $0x10;
	[sflag:s12] =	ssyncset.done $0x0  }
.LBB2_2:
0x38: {  	s25 =	sadd.s32 s23, s10  }
0x39: {  	[sflag:s12] =	ssyncadd.s32 $0xFFFFC000;
	s26 =	smov.u32 s24;
	s28 =	sadd.s32 $0x10, s24  }
0x3a: {  	[tilespmem:s3], [sflag:$0x2] =	stream.linear.gather [hbm4b:s25+s3], $0x80, $0x38;
	[tilespmem:$0x18100] =	vst v63  }
0x3b: {  	p0 =	sne.s32 s24, $0x4E0;
	s24 =	sadd.s32 s23, s9;
	s23 =	smov.u32 s26  }
0x3c: {  	[tilespmem:s17], [sflag:$0x3] =	stream.linear.gather [hbm4b:s24+s3], $0x80, $0x38;
	[tilespmem:$0x18100] =	vst v63  }
0x3d: {  	_ =	swait.ge [sflag:s18], $0x80  }
0x3e: {  	[sflag:s18] =	ssyncset.done $0x0  }
0x3f: {  	[sflag:s18] =	ssyncadd.s32 $0xFFFFFF80  }
0x40: {  	[tilespmem:s19], [sflag:$0x1] =	stream.indirect.gather [hbm4b:s4+s17], $0x80, s17, s17, $0xb8;
	[tilespmem:$0x18100] =	vst v63  }
0x41: {  	_ =	swait.ge [sflag:s20], $0x4000  }
0x42: {  	[sflag:s20] =	ssyncset.done $0x0  }
0x43: {  	[sflag:s20] =	ssyncadd.s32 $0xFFFFC000  }
0x44: {  	_ =	swait.ge [sflag:s21], $0x80  }
.Ltmp0:
0x45: {  	[sflag:s21] =	ssyncset.done $0x0;
	(pc) =	sbr.rel @p0 .LBB2_2-.Ltmp0, $4  }
0x46: {  	[sflag:s21] =	ssyncadd.s32 $0xFFFFFF80  }
0x47: {  	[spmem:s2] =	stream.indirect.scatter.add.f32 [tilespmem:s19], [sflag:$0x4], $0x80, s3, s17, $0xb8;
	[tilespmem:$0x18100] =	vst v63  }
0x48: {  	_ =	swait.ge [sflag:s12], $0x4000  }
0x49: {  	s24 =	smov.u32 s28;
	[sflag:s12] =	ssyncset.done $0x0  }
0x4a: {  	s24 =	sadd.s32 s23, s10;
	[sflag:s12] =	ssyncadd.s32 $0xFFFFC000  }
0x4b: {  	[tilespmem:s3], [sflag:$0x2] =	stream.linear.gather [hbm4b:s24+s3], $0x80, $0x38;
	[tilespmem:$0x18100] =	vst v63  }
0x4c: {  	s31 =	sadd.s32 s23, s9  }
0x4d: {  	[tilespmem:s17], [sflag:$0x3] =	stream.linear.gather [hbm4b:s31+s3], $0x80, $0x38;
	[tilespmem:$0x18100] =	vst v63  }
0x4e: {  	_ =	swait.ge [sflag:s18], $0x80  }
0x4f: {  	[sflag:s18] =	ssyncset.done $0x0  }
0x50: {  	[sflag:s18] =	ssyncadd.s32 $0xFFFFFF80  }
0x51: {  	[tilespmem:s19], [sflag:$0x1] =	stream.indirect.gather [hbm4b:s4+s17], $0x80, s17, s17, $0xb8;
	[tilespmem:$0x18100] =	vst v63  }
0x52: {  	_ =	swait.ge [sflag:s20], $0x4000  }
0x53: {  	[sflag:s20] =	ssyncset.done $0x0  }
0x54: {  	[sflag:s20] =	ssyncadd.s32 $0xFFFFC000  }
0x55: {  	_ =	swait.ge [sflag:s21], $0x80  }
0x56: {  	[sflag:s21] =	ssyncset.done $0x0  }
0x57: {  	[sflag:s21] =	ssyncadd.s32 $0xFFFFFF80  }
0x58: {  	[spmem:s2] =	stream.indirect.scatter.add.f32 [tilespmem:s19], [sflag:$0x4], $0x80, s3, s17, $0xb8;
	[tilespmem:$0x18100] =	vst v63  }
0x59: {  	_ =	swait.ge [sflag:s12], $0x4000  }
0x5a: {  	s22 =	sadd.s32 $0x1, s22;
	[sflag:s12] =	ssyncset.done $0x0  }
0x5b: {  	p0 =	sne.s32 s22, s8;
	[sflag:s12] =	ssyncadd.s32 $0xFFFFC000  }
.Ltmp1:
0x5c: {  	[bflag:$0x0] =	sbarrier.arrive $0xFFFF;
	(pc) =	sbr.rel @p0 .LBB2_1-.Ltmp1, $4  }
0x5d: {  	[hbm:s7], [sflag:s6] =	dma.local [spmem:s11], $0x2800  }
0x5e: {  	_ =	swait.ge [sflag:s12], $0x2800  }
0x5f: {  	[sflag:s12] =	ssyncset.done $0x0  }
0x60: {  	[sflag:s12] =	ssyncadd.s32 $0xFFFFD800  }
0x61: {  	_ =	sfence.sel $0x180000  }
0x62: {  	[bflag:$0x0] =	sbarrier.arrive $0xFFFF  }
0x63: {  	p0 =	sne.s32 s0, $0x0;
	_ =	strace $0x9000004A  }
0x64: {  	s0 =	sadd.s32 @!p0 $0x100000, s1;
	[bflag:$0x2] =	sbarrier.arrive $0xFFFF  }
0x65: {  	[sflag:s0] =	ssyncadd.tile.s32 @!p0 $0x1;
	_ =	shalt  }
.Lfunc_end2:
_tile_overlayer_lowered:
.L_overlay_start_2:
0x66: {  	(tag) =	ssettag $0x2  }
0x67: {  	s0 =	rddreg [dreg:$0x0];
	s2 =	stileid.u32  }
0x68: {  	s1 =	rddreg [dreg:$0x1];
	p0 =	sne.s32 s2, $0x0  }
0x69: {  	s3 =	rddreg [dreg:$0x2];
	[bflag:$0x3] =	sbarrier.arrive $0xFFFF;
	s2 =	simm.s32 @!p0 $0x1C04  }
0x6a: {  	[timem:s3], [sflag:s2] =	dma.local @!p0 [hbm:s0], s1  }
0x6b: {  	s0 =	simm.s32 @!p0 $0x4  }
0x6c: {  	_ =	swait.ge @!p0 [sflag:s0], s1  }
0x6d: {  	s1 =	ssub.s32 @!p0 $0x0, s1;
	[sflag:s0] =	ssyncset.done @!p0 $0x0  }
0x6e: {  	[sflag:s0] =	ssyncadd.s32 @!p0 s1  }
0x6f: {  	[bflag:$0x3] =	sbarrier.arrive $0xFFFF  }
0x70: {  	_ =	shalt  }

</sc_bundles>
